<compile_context>
chip_gen: v7x
topology: tpu7x:2x2x1
jax: 0.10.2.dev20260603
libtpu: 0.0.44.dev20260713+nightly
codegen_flags: <defaults>
</compile_context>

<pallas_src>
import functools

import jax
import jax.numpy as jnp
from jax import lax
from jax.experimental import pallas as pl
from jax.experimental.pallas import tpu as pltpu
from jax.experimental.pallas import tpu_sc as plsc

NUM_NODES = 1000000
D = 128
B = 16384

_info = plsc.get_sparse_core_info()
NC = _info.num_cores
NS = _info.num_subcores
NW = NC * NS
BPW = B // NW
CH = 128
NCH = BPW // CH

_mesh = plsc.VectorSubcoreMesh(core_axis_name="c", subcore_axis_name="s")


@functools.partial(
    pl.kernel,
    mesh=_mesh,
    out_type=jax.ShapeDtypeStruct((B, D), jnp.float32),
    scratch_types=[
        pltpu.VMEM((NCH, CH), jnp.int32),
        pltpu.VMEM((BPW, D), jnp.float32),
        pltpu.SemaphoreType.DMA,
    ],
)
def _sc_gather(mem_hbm, idx_hbm, out_hbm, idx_v, rows_v, sem):
    wid = lax.axis_index("s") * NC + lax.axis_index("c")
    pltpu.sync_copy(idx_hbm.at[wid], idx_v)
    copies = []
    for j in range(NCH):
        copies.append(
            pltpu.async_copy(
                mem_hbm.at[idx_v.at[j]], rows_v.at[pl.ds(j * CH, CH)], sem
            )
        )
    for c in copies:
        c.wait()
    pltpu.sync_copy(rows_v, out_hbm.at[pl.ds(wid * BPW, BPW)])


@functools.partial(
    pl.kernel,
    mesh=_mesh,
    out_type=(),
    scratch_types=[
        pltpu.VMEM((NCH, CH), jnp.int32),
        pltpu.VMEM((NCH, CH), jnp.int32),
        pltpu.VMEM((BPW, D), jnp.float32),
        pltpu.SemaphoreType.DMA,
    ],
)
def _sc_scatter(idx_hbm, win_hbm, upd_hbm, mem_ref, idx_v, win_v, rows_v, sem):
    wid = lax.axis_index("s") * NC + lax.axis_index("c")
    pltpu.sync_copy(idx_hbm.at[wid], idx_v)
    pltpu.sync_copy(win_hbm.at[wid], win_v)
    gathers = []
    for j in range(NCH):
        gathers.append(
            pltpu.async_copy(
                upd_hbm.at[win_v.at[j]], rows_v.at[pl.ds(j * CH, CH)], sem
            )
        )
    for c in gathers:
        c.wait()
    scatters = []
    for j in range(NCH):
        scatters.append(
            pltpu.async_copy(
                rows_v.at[pl.ds(j * CH, CH)], mem_ref.at[idx_v.at[j]], sem
            )
        )
    for c in scatters:
        c.wait()


_BLK = 2048


def _gru_body(x_ref, h_ref, wih_ref, whh_ref, bih_ref, bhh_ref, out_ref):
    x = x_ref[...]
    h = h_ref[...]
    gi = jnp.dot(x, wih_ref[...], preferred_element_type=jnp.float32) + bih_ref[...]
    gh = jnp.dot(h, whh_ref[...], preferred_element_type=jnp.float32) + bhh_ref[...]
    r = jax.nn.sigmoid(gi[:, :D] + gh[:, :D])
    z = jax.nn.sigmoid(gi[:, D : 2 * D] + gh[:, D : 2 * D])
    n = jnp.tanh(gi[:, 2 * D :] + r * gh[:, 2 * D :])
    out_ref[...] = (1.0 - z) * n + z * h


def _gru(messages, cur, wihT, whhT, b_ih, b_hh):
    grid = (B // _BLK,)
    return pl.pallas_call(
        _gru_body,
        grid=grid,
        in_specs=[
            pl.BlockSpec((_BLK, D), lambda i: (i, 0)),
            pl.BlockSpec((_BLK, D), lambda i: (i, 0)),
            pl.BlockSpec((D, 3 * D), lambda i: (0, 0)),
            pl.BlockSpec((D, 3 * D), lambda i: (0, 0)),
            pl.BlockSpec((1, 3 * D), lambda i: (0, 0)),
            pl.BlockSpec((1, 3 * D), lambda i: (0, 0)),
        ],
        out_specs=pl.BlockSpec((_BLK, D), lambda i: (i, 0)),
        out_shape=jax.ShapeDtypeStruct((B, D), jnp.float32),
    )(messages, cur, wihT, whhT, b_ih, b_hh)


def kernel(memory, node_idxs, messages, W_ih, W_hh, b_ih, b_hh):
    idx = node_idxs.astype(jnp.int32)

    order = jnp.argsort(idx, stable=True).astype(jnp.int32)
    s = idx[order]
    iota = jnp.arange(B, dtype=jnp.int32)
    is_last = jnp.concatenate([s[1:] != s[:-1], jnp.ones((1,), bool)])
    last_slot = jnp.flip(lax.cummin(jnp.flip(jnp.where(is_last, iota, B))))
    winner_sorted = order[last_slot]

    idx_w = s.reshape(NW, NCH, CH)
    win_w = winner_sorted.reshape(NW, NCH, CH)

    cur = _sc_gather(memory, idx.reshape(NW, NCH, CH))
    updated = _gru(messages, cur, W_ih.T, W_hh.T, b_ih[None, :], b_hh[None, :])

    mem_ref = jax.new_ref(memory)
    _sc_scatter(idx_w, win_w, updated, mem_ref)
    new_memory = mem_ref[...]
    return updated, new_memory

# --- scband reference (transcript-rebuilt; emitter-appended) ---
"""Pipeline reference for scband-memory-module-43121471652159 (READ-ONLY COPY).

The authoritative reference and input builder live on the scoring server;
editing this copy changes nothing except your own understanding.
"""

import jax, jax.numpy as jnp
import numpy as np

NUM_NODES = 1000000
MEMORY_DIM = 128
MESSAGE_DIM = 128
BATCH = 16384


def gru_cell(x, h, W_ih, W_hh, b_ih, b_hh):
    # PyTorch GRUCell semantics
    gi = x @ W_ih.T + b_ih
    gh = h @ W_hh.T + b_hh
    i_r, i_z, i_n = jnp.split(gi, 3, axis=-1)
    h_r, h_z, h_n = jnp.split(gh, 3, axis=-1)
    r = jax.nn.sigmoid(i_r + h_r)
    z = jax.nn.sigmoid(i_z + h_z)
    n = jnp.tanh(i_n + r * h_n)
    return (1.0 - z) * n + z * h


def setup_inputs(seed: int = 0) -> dict:
    key = jax.random.key(seed)
    ks = jax.random.split(key, 8)
    # persistent node memory (parameter, requires_grad=False in torch)
    memory = jnp.zeros((NUM_NODES, MEMORY_DIM), dtype=jnp.float32)
    node_idxs = jax.random.randint(ks[0], (BATCH,), 0, NUM_NODES, dtype=jnp.int64 if jax.config.jax_enable_x64 else jnp.int32)
    messages = jax.random.normal(ks[1], (BATCH, MESSAGE_DIM), dtype=jnp.float32)
    s = 1.0 / np.sqrt(MEMORY_DIM)
    W_ih = jax.random.uniform(ks[2], (3 * MEMORY_DIM, MESSAGE_DIM), minval=-s, maxval=s, dtype=jnp.float32)
    W_hh = jax.random.uniform(ks[3], (3 * MEMORY_DIM, MEMORY_DIM), minval=-s, maxval=s, dtype=jnp.float32)
    b_ih = jax.random.uniform(ks[4], (3 * MEMORY_DIM,), minval=-s, maxval=s, dtype=jnp.float32)
    b_hh = jax.random.uniform(ks[5], (3 * MEMORY_DIM,), minval=-s, maxval=s, dtype=jnp.float32)
    return {
        "memory": memory,
        "node_idxs": node_idxs,
        "messages": messages,
        "W_ih": W_ih,
        "W_hh": W_hh,
        "b_ih": b_ih,
        "b_hh": b_hh,
    }


def reference(memory, node_idxs, messages, W_ih, W_hh, b_ih, b_hh):
    # gather current memory for the touched nodes
    current_memory = jnp.take(memory, node_idxs, axis=0)
    # GRU cell update
    updated_memory = gru_cell(messages, current_memory, W_ih, W_hh, b_ih, b_hh)
    # scatter-overwrite back into the memory table (torch: in-place under no_grad)
    new_memory = memory.at[node_idxs].set(updated_memory)
    return updated_memory, new_memory

if __name__ == "__main__":
    import jax
    _d = setup_inputs()
    print(jax.jit(kernel)(*tuple(_d.values())))

</pallas_src>

<mosaic_0001>
#map = affine_map<(d0, d1) -> (0, 0)>
#map1 = affine_map<(d0, d1) -> (0, 0, 0)>
module attributes {stable_mosaic.version = 14 : i64} {
  func.func @_sc_gather(%arg0: i32, %arg1: i32, %arg2: memref<1000000x128xf32, #tpu.memory_space<hbm>>, %arg3: memref<32x4x128xi32, #tpu.memory_space<hbm>>, %arg4: memref<16384x128xf32, #tpu.memory_space<hbm>>, %arg5: memref<4x128xi32, #tpu.memory_space<vmem>>, %arg6: memref<512x128xf32, #tpu.memory_space<vmem>>, %arg7: memref<!tpu.dma_semaphore, #tpu.memory_space<semaphore_mem>>) attributes {dimension_semantics = [#tpu.dimension_semantics<core_parallel>, #tpu.dimension_semantics<subcore_parallel>], iteration_bounds = array<i64: 2, 16>, scalar_prefetch = 0 : i64, scratch_operands = 3 : i64, tpu.core_type = #tpu.core_type<sc_vector_subcore>, window_params = [{transform_indices = #map}, {transform_indices = #map1}, {transform_indices = #map}]} {
    %mul3A = arith.constant 2 : i32
    %mul3A_0 = arith.muli %arg1, %mul3A : i32
    %add3A = arith.addi %mul3A_0, %arg0 : i32
    "tpu.region"() ({
      %run_scoped3A = tpu.sem_alloc : memref<!tpu.dma_semaphore, #tpu.memory_space<semaphore_mem>>
      %dma_start3A_81 = arith.constant 0 : i32
      %dma_start3A_82 = arith.constant 0 : i32
      %dma_start3A_83 = tpu.memref_slice %arg3[%add3A, %dma_start3A_81, %dma_start3A_82] : memref<32x4x128xi32, #tpu.memory_space<hbm>> -> memref<1x4x128xi32, #tpu.memory_space<hbm>>
      %dma_start3A_84 = tpu.memref_squeeze %dma_start3A_83 : memref<1x4x128xi32, #tpu.memory_space<hbm>> -> memref<4x128xi32, #tpu.memory_space<hbm>>
      %dma_start3A_85 = arith.constant 0 : i32
      %dma_start3A_86 = arith.constant 0 : i32
      %dma_start3A_87 = tpu.memref_slice %arg3[%add3A, %dma_start3A_85, %dma_start3A_86] : memref<32x4x128xi32, #tpu.memory_space<hbm>> -> memref<1x4x128xi32, #tpu.memory_space<hbm>>
      %dma_start3A_88 = tpu.memref_squeeze %dma_start3A_87 : memref<1x4x128xi32, #tpu.memory_space<hbm>> -> memref<4x128xi32, #tpu.memory_space<hbm>>
      tpu.enqueue_dma source(%dma_start3A_88 : memref<4x128xi32, #tpu.memory_space<hbm>>) target(%arg5 : memref<4x128xi32, #tpu.memory_space<vmem>>) target_semaphore(%run_scoped3A : memref<!tpu.dma_semaphore, #tpu.memory_space<semaphore_mem>>)
      %dma_wait3A_89 = arith.constant 0 : i32
      %dma_wait3A_90 = arith.constant 0 : i32
      %dma_wait3A_91 = tpu.memref_slice %arg3[%add3A, %dma_wait3A_89, %dma_wait3A_90] : memref<32x4x128xi32, #tpu.memory_space<hbm>> -> memref<1x4x128xi32, #tpu.memory_space<hbm>>
      %dma_wait3A_92 = tpu.memref_squeeze %dma_wait3A_91 : memref<1x4x128xi32, #tpu.memory_space<hbm>> -> memref<4x128xi32, #tpu.memory_space<hbm>>
      %dma_wait3A_93 = arith.constant 0 : i32
      %dma_wait3A_94 = arith.constant 0 : i32
      %dma_wait3A_95 = tpu.memref_slice %arg3[%add3A, %dma_wait3A_93, %dma_wait3A_94] : memref<32x4x128xi32, #tpu.memory_space<hbm>> -> memref<1x4x128xi32, #tpu.memory_space<hbm>>
      %dma_wait3A_96 = tpu.memref_squeeze %dma_wait3A_95 : memref<1x4x128xi32, #tpu.memory_space<hbm>> -> memref<4x128xi32, #tpu.memory_space<hbm>>
      tpu.wait_dma2 semaphore(%run_scoped3A : memref<!tpu.dma_semaphore, #tpu.memory_space<semaphore_mem>>) src(%dma_wait3A_96 : memref<4x128xi32, #tpu.memory_space<hbm>>) dst(%arg5 : memref<4x128xi32, #tpu.memory_space<vmem>>)
      tpu.yield
    }) : () -> ()
    %dma_start3A = arith.constant 0 : i32
    %dma_start3A_1 = arith.constant 0 : i32
    %dma_start3A_2 = arith.constant 0 : i32
    %dma_start3A_3 = tpu.memref_slice %arg6[%dma_start3A_1, %dma_start3A_2] : memref<512x128xf32, #tpu.memory_space<vmem>> -> memref<128x128xf32, #tpu.memory_space<vmem>>
    %dma_start3A_4 = arith.constant 0 : i32
    %dma_start3A_5 = tpu.memref_slice %arg5[%dma_start3A, %dma_start3A_4] : memref<4x128xi32, #tpu.memory_space<vmem>> -> memref<1x128xi32, #tpu.memory_space<vmem>>
    %dma_start3A_6 = tpu.memref_squeeze %dma_start3A_5 : memref<1x128xi32, #tpu.memory_space<vmem>> -> memref<128xi32, #tpu.memory_space<vmem>>
    %dma_start3A_7 = arith.constant 0 : i32
    %dma_start3A_8 = arith.constant 0 : i32
    %dma_start3A_9 = tpu.memref_slice %arg2[%dma_start3A_7, %dma_start3A_8] : memref<1000000x128xf32, #tpu.memory_space<hbm>> -> memref<1000000x128xf32, #tpu.memory_space<hbm>>
    tpu.enqueue_indirect_dma source(%dma_start3A_9 : memref<1000000x128xf32, #tpu.memory_space<hbm>>) target(%dma_start3A_3 : memref<128x128xf32, #tpu.memory_space<vmem>>) offsets(%dma_start3A_6 : memref<128xi32, #tpu.memory_space<vmem>>) semaphore(%arg7 : memref<!tpu.dma_semaphore, #tpu.memory_space<semaphore_mem>>)
    %dma_start3A_10 = arith.constant 1 : i32
    %dma_start3A_11 = arith.constant 128 : i32
    %dma_start3A_12 = arith.constant 0 : i32
    %dma_start3A_13 = tpu.memref_slice %arg6[%dma_start3A_11, %dma_start3A_12] : memref<512x128xf32, #tpu.memory_space<vmem>> -> memref<128x128xf32, #tpu.memory_space<vmem>>
    %dma_start3A_14 = arith.constant 0 : i32
    %dma_start3A_15 = tpu.memref_slice %arg5[%dma_start3A_10, %dma_start3A_14] : memref<4x128xi32, #tpu.memory_space<vmem>> -> memref<1x128xi32, #tpu.memory_space<vmem>>
    %dma_start3A_16 = tpu.memref_squeeze %dma_start3A_15 : memref<1x128xi32, #tpu.memory_space<vmem>> -> memref<128xi32, #tpu.memory_space<vmem>>
    %dma_start3A_17 = arith.constant 0 : i32
    %dma_start3A_18 = arith.constant 0 : i32
    %dma_start3A_19 = tpu.memref_slice %arg2[%dma_start3A_17, %dma_start3A_18] : memref<1000000x128xf32, #tpu.memory_space<hbm>> -> memref<1000000x128xf32, #tpu.memory_space<hbm>>
    tpu.enqueue_indirect_dma source(%dma_start3A_19 : memref<1000000x128xf32, #tpu.memory_space<hbm>>) target(%dma_start3A_13 : memref<128x128xf32, #tpu.memory_space<vmem>>) offsets(%dma_start3A_16 : memref<128xi32, #tpu.memory_space<vmem>>) semaphore(%arg7 : memref<!tpu.dma_semaphore, #tpu.memory_space<semaphore_mem>>)
    %dma_start3A_20 = arith.constant 2 : i32
    %dma_start3A_21 = arith.constant 256 : i32
    %dma_start3A_22 = arith.constant 0 : i32
    %dma_start3A_23 = tpu.memref_slice %arg6[%dma_start3A_21, %dma_start3A_22] : memref<512x128xf32, #tpu.memory_space<vmem>> -> memref<128x128xf32, #tpu.memory_space<vmem>>
    %dma_start3A_24 = arith.constant 0 : i32
    %dma_start3A_25 = tpu.memref_slice %arg5[%dma_start3A_20, %dma_start3A_24] : memref<4x128xi32, #tpu.memory_space<vmem>> -> memref<1x128xi32, #tpu.memory_space<vmem>>
    %dma_start3A_26 = tpu.memref_squeeze %dma_start3A_25 : memref<1x128xi32, #tpu.memory_space<vmem>> -> memref<128xi32, #tpu.memory_space<vmem>>
    %dma_start3A_27 = arith.constant 0 : i32
    %dma_start3A_28 = arith.constant 0 : i32
    %dma_start3A_29 = tpu.memref_slice %arg2[%dma_start3A_27, %dma_start3A_28] : memref<1000000x128xf32, #tpu.memory_space<hbm>> -> memref<1000000x128xf32, #tpu.memory_space<hbm>>
    tpu.enqueue_indirect_dma source(%dma_start3A_29 : memref<1000000x128xf32, #tpu.memory_space<hbm>>) target(%dma_start3A_23 : memref<128x128xf32, #tpu.memory_space<vmem>>) offsets(%dma_start3A_26 : memref<128xi32, #tpu.memory_space<vmem>>) semaphore(%arg7 : memref<!tpu.dma_semaphore, #tpu.memory_space<semaphore_mem>>)
    %dma_start3A_30 = arith.constant 3 : i32
    %dma_start3A_31 = arith.constant 384 : i32
    %dma_start3A_32 = arith.constant 0 : i32
    %dma_start3A_33 = tpu.memref_slice %arg6[%dma_start3A_31, %dma_start3A_32] : memref<512x128xf32, #tpu.memory_space<vmem>> -> memref<128x128xf32, #tpu.memory_space<vmem>>
    %dma_start3A_34 = arith.constant 0 : i32
    %dma_start3A_35 = tpu.memref_slice %arg5[%dma_start3A_30, %dma_start3A_34] : memref<4x128xi32, #tpu.memory_space<vmem>> -> memref<1x128xi32, #tpu.memory_space<vmem>>
    %dma_start3A_36 = tpu.memref_squeeze %dma_start3A_35 : memref<1x128xi32, #tpu.memory_space<vmem>> -> memref<128xi32, #tpu.memory_space<vmem>>
    %dma_start3A_37 = arith.constant 0 : i32
    %dma_start3A_38 = arith.constant 0 : i32
    %dma_start3A_39 = tpu.memref_slice %arg2[%dma_start3A_37, %dma_start3A_38] : memref<1000000x128xf32, #tpu.memory_space<hbm>> -> memref<1000000x128xf32, #tpu.memory_space<hbm>>
    tpu.enqueue_indirect_dma source(%dma_start3A_39 : memref<1000000x128xf32, #tpu.memory_space<hbm>>) target(%dma_start3A_33 : memref<128x128xf32, #tpu.memory_space<vmem>>) offsets(%dma_start3A_36 : memref<128xi32, #tpu.memory_space<vmem>>) semaphore(%arg7 : memref<!tpu.dma_semaphore, #tpu.memory_space<semaphore_mem>>)
    %dma_wait3A = arith.constant 0 : i32
    %dma_wait3A_40 = arith.constant 0 : i32
    %dma_wait3A_41 = arith.constant 0 : i32
    %dma_wait3A_42 = tpu.memref_slice %arg6[%dma_wait3A_40, %dma_wait3A_41] : memref<512x128xf32, #tpu.memory_space<vmem>> -> memref<128x128xf32, #tpu.memory_space<vmem>>
    %dma_wait3A_43 = arith.constant 0 : i32
    %dma_wait3A_44 = tpu.memref_slice %arg5[%dma_wait3A, %dma_wait3A_43] : memref<4x128xi32, #tpu.memory_space<vmem>> -> memref<1x128xi32, #tpu.memory_space<vmem>>
    %dma_wait3A_45 = tpu.memref_squeeze %dma_wait3A_44 : memref<1x128xi32, #tpu.memory_space<vmem>> -> memref<128xi32, #tpu.memory_space<vmem>>
    %dma_wait3A_46 = arith.constant 0 : i32
    %dma_wait3A_47 = arith.constant 0 : i32
    %dma_wait3A_48 = tpu.memref_slice %arg2[%dma_wait3A_46, %dma_wait3A_47] : memref<1000000x128xf32, #tpu.memory_space<hbm>> -> memref<1000000x128xf32, #tpu.memory_space<hbm>>
    tpu.wait_indirect_dma semaphore(%arg7 : memref<!tpu.dma_semaphore, #tpu.memory_space<semaphore_mem>>) src(%dma_wait3A_48 : memref<1000000x128xf32, #tpu.memory_space<hbm>>) dst(%dma_wait3A_42 : memref<128x128xf32, #tpu.memory_space<vmem>>)
    %dma_wait3A_49 = arith.constant 1 : i32
    %dma_wait3A_50 = arith.constant 128 : i32
    %dma_wait3A_51 = arith.constant 0 : i32
    %dma_wait3A_52 = tpu.memref_slice %arg6[%dma_wait3A_50, %dma_wait3A_51] : memref<512x128xf32, #tpu.memory_space<vmem>> -> memref<128x128xf32, #tpu.memory_space<vmem>>
    %dma_wait3A_53 = arith.constant 0 : i32
    %dma_wait3A_54 = tpu.memref_slice %arg5[%dma_wait3A_49, %dma_wait3A_53] : memref<4x128xi32, #tpu.memory_space<vmem>> -> memref<1x128xi32, #tpu.memory_space<vmem>>
    %dma_wait3A_55 = tpu.memref_squeeze %dma_wait3A_54 : memref<1x128xi32, #tpu.memory_space<vmem>> -> memref<128xi32, #tpu.memory_space<vmem>>
    %dma_wait3A_56 = arith.constant 0 : i32
    %dma_wait3A_57 = arith.constant 0 : i32
    %dma_wait3A_58 = tpu.memref_slice %arg2[%dma_wait3A_56, %dma_wait3A_57] : memref<1000000x128xf32, #tpu.memory_space<hbm>> -> memref<1000000x128xf32, #tpu.memory_space<hbm>>
    tpu.wait_indirect_dma semaphore(%arg7 : memref<!tpu.dma_semaphore, #tpu.memory_space<semaphore_mem>>) src(%dma_wait3A_58 : memref<1000000x128xf32, #tpu.memory_space<hbm>>) dst(%dma_wait3A_52 : memref<128x128xf32, #tpu.memory_space<vmem>>)
    %dma_wait3A_59 = arith.constant 2 : i32
    %dma_wait3A_60 = arith.constant 256 : i32
    %dma_wait3A_61 = arith.constant 0 : i32
    %dma_wait3A_62 = tpu.memref_slice %arg6[%dma_wait3A_60, %dma_wait3A_61] : memref<512x128xf32, #tpu.memory_space<vmem>> -> memref<128x128xf32, #tpu.memory_space<vmem>>
    %dma_wait3A_63 = arith.constant 0 : i32
    %dma_wait3A_64 = tpu.memref_slice %arg5[%dma_wait3A_59, %dma_wait3A_63] : memref<4x128xi32, #tpu.memory_space<vmem>> -> memref<1x128xi32, #tpu.memory_space<vmem>>
    %dma_wait3A_65 = tpu.memref_squeeze %dma_wait3A_64 : memref<1x128xi32, #tpu.memory_space<vmem>> -> memref<128xi32, #tpu.memory_space<vmem>>
    %dma_wait3A_66 = arith.constant 0 : i32
    %dma_wait3A_67 = arith.constant 0 : i32
    %dma_wait3A_68 = tpu.memref_slice %arg2[%dma_wait3A_66, %dma_wait3A_67] : memref<1000000x128xf32, #tpu.memory_space<hbm>> -> memref<1000000x128xf32, #tpu.memory_space<hbm>>
    tpu.wait_indirect_dma semaphore(%arg7 : memref<!tpu.dma_semaphore, #tpu.memory_space<semaphore_mem>>) src(%dma_wait3A_68 : memref<1000000x128xf32, #tpu.memory_space<hbm>>) dst(%dma_wait3A_62 : memref<128x128xf32, #tpu.memory_space<vmem>>)
    %dma_wait3A_69 = arith.constant 3 : i32
    %dma_wait3A_70 = arith.constant 384 : i32
    %dma_wait3A_71 = arith.constant 0 : i32
    %dma_wait3A_72 = tpu.memref_slice %arg6[%dma_wait3A_70, %dma_wait3A_71] : memref<512x128xf32, #tpu.memory_space<vmem>> -> memref<128x128xf32, #tpu.memory_space<vmem>>
    %dma_wait3A_73 = arith.constant 0 : i32
    %dma_wait3A_74 = tpu.memref_slice %arg5[%dma_wait3A_69, %dma_wait3A_73] : memref<4x128xi32, #tpu.memory_space<vmem>> -> memref<1x128xi32, #tpu.memory_space<vmem>>
    %dma_wait3A_75 = tpu.memref_squeeze %dma_wait3A_74 : memref<1x128xi32, #tpu.memory_space<vmem>> -> memref<128xi32, #tpu.memory_space<vmem>>
    %dma_wait3A_76 = arith.constant 0 : i32
    %dma_wait3A_77 = arith.constant 0 : i32
    %dma_wait3A_78 = tpu.memref_slice %arg2[%dma_wait3A_76, %dma_wait3A_77] : memref<1000000x128xf32, #tpu.memory_space<hbm>> -> memref<1000000x128xf32, #tpu.memory_space<hbm>>
    tpu.wait_indirect_dma semaphore(%arg7 : memref<!tpu.dma_semaphore, #tpu.memory_space<semaphore_mem>>) src(%dma_wait3A_78 : memref<1000000x128xf32, #tpu.memory_space<hbm>>) dst(%dma_wait3A_72 : memref<128x128xf32, #tpu.memory_space<vmem>>)
    %mul3A_79 = arith.constant 512 : i32
    %mul3A_80 = arith.muli %add3A, %mul3A_79 : i32
    "tpu.region"() ({
      %run_scoped3A = tpu.sem_alloc : memref<!tpu.dma_semaphore, #tpu.memory_space<semaphore_mem>>
      %dma_start3A_81 = arith.constant 0 : i32
      %dma_start3A_82 = tpu.memref_slice %arg4[%mul3A_80, %dma_start3A_81] : memref<16384x128xf32, #tpu.memory_space<hbm>> -> memref<512x128xf32, #tpu.memory_space<hbm>>
      %dma_start3A_83 = arith.constant 0 : i32
      %dma_start3A_84 = tpu.memref_slice %arg4[%mul3A_80, %dma_start3A_83] : memref<16384x128xf32, #tpu.memory_space<hbm>> -> memref<512x128xf32, #tpu.memory_space<hbm>>
      tpu.enqueue_dma source(%arg6 : memref<512x128xf32, #tpu.memory_space<vmem>>) target(%dma_start3A_84 : memref<512x128xf32, #tpu.memory_space<hbm>>) target_semaphore(%run_scoped3A : memref<!tpu.dma_semaphore, #tpu.memory_space<semaphore_mem>>)
      %dma_wait3A_85 = arith.constant 0 : i32
      %dma_wait3A_86 = tpu.memref_slice %arg4[%mul3A_80, %dma_wait3A_85] : memref<16384x128xf32, #tpu.memory_space<hbm>> -> memref<512x128xf32, #tpu.memory_space<hbm>>
      %dma_wait3A_87 = arith.constant 0 : i32
      %dma_wait3A_88 = tpu.memref_slice %arg4[%mul3A_80, %dma_wait3A_87] : memref<16384x128xf32, #tpu.memory_space<hbm>> -> memref<512x128xf32, #tpu.memory_space<hbm>>
      tpu.wait_dma2 semaphore(%run_scoped3A : memref<!tpu.dma_semaphore, #tpu.memory_space<semaphore_mem>>) src(%arg6 : memref<512x128xf32, #tpu.memory_space<vmem>>) dst(%dma_wait3A_88 : memref<512x128xf32, #tpu.memory_space<hbm>>)
      tpu.yield
    }) : () -> ()
    return
  }
}

#map = affine_map<(d0, d1) -> (0, 0, 0)>
#map1 = affine_map<(d0, d1) -> (0, 0)>
module attributes {stable_mosaic.version = 14 : i64} {
  func.func @new_body(%arg0: i32, %arg1: i32, %arg2: memref<32x4x128xi32, #tpu.memory_space<hbm>>, %arg3: memref<32x4x128xi32, #tpu.memory_space<hbm>>, %arg4: memref<16384x128xf32, #tpu.memory_space<hbm>>, %arg5: memref<1000000x128xf32, #tpu.memory_space<hbm>>, %arg6: memref<1000000x128xf32, #tpu.memory_space<hbm>>, %arg7: memref<4x128xi32, #tpu.memory_space<vmem>>, %arg8: memref<4x128xi32, #tpu.memory_space<vmem>>, %arg9: memref<512x128xf32, #tpu.memory_space<vmem>>, %arg10: memref<!tpu.dma_semaphore, #tpu.memory_space<semaphore_mem>>) attributes {dimension_semantics = [#tpu.dimension_semantics<core_parallel>, #tpu.dimension_semantics<subcore_parallel>], iteration_bounds = array<i64: 2, 16>, scalar_prefetch = 0 : i64, scratch_operands = 4 : i64, tpu.core_type = #tpu.core_type<sc_vector_subcore>, window_params = [{transform_indices = #map}, {transform_indices = #map}, {transform_indices = #map1}, {transform_indices = #map1}, {transform_indices = #map1}]} {
    %mul3A = arith.constant 2 : i32
    %mul3A_0 = arith.muli %arg1, %mul3A : i32
    %add3A = arith.addi %mul3A_0, %arg0 : i32
    "tpu.region"() ({
      %run_scoped3A = tpu.sem_alloc : memref<!tpu.dma_semaphore, #tpu.memory_space<semaphore_mem>>
      %dma_start3A_159 = arith.constant 0 : i32
      %dma_start3A_160 = arith.constant 0 : i32
      %dma_start3A_161 = tpu.memref_slice %arg2[%add3A, %dma_start3A_159, %dma_start3A_160] : memref<32x4x128xi32, #tpu.memory_space<hbm>> -> memref<1x4x128xi32, #tpu.memory_space<hbm>>
      %dma_start3A_162 = tpu.memref_squeeze %dma_start3A_161 : memref<1x4x128xi32, #tpu.memory_space<hbm>> -> memref<4x128xi32, #tpu.memory_space<hbm>>
      %dma_start3A_163 = arith.constant 0 : i32
      %dma_start3A_164 = arith.constant 0 : i32
      %dma_start3A_165 = tpu.memref_slice %arg2[%add3A, %dma_start3A_163, %dma_start3A_164] : memref<32x4x128xi32, #tpu.memory_space<hbm>> -> memref<1x4x128xi32, #tpu.memory_space<hbm>>
      %dma_start3A_166 = tpu.memref_squeeze %dma_start3A_165 : memref<1x4x128xi32, #tpu.memory_space<hbm>> -> memref<4x128xi32, #tpu.memory_space<hbm>>
      tpu.enqueue_dma source(%dma_start3A_166 : memref<4x128xi32, #tpu.memory_space<hbm>>) target(%arg7 : memref<4x128xi32, #tpu.memory_space<vmem>>) target_semaphore(%run_scoped3A : memref<!tpu.dma_semaphore, #tpu.memory_space<semaphore_mem>>)
      %dma_wait3A_167 = arith.constant 0 : i32
      %dma_wait3A_168 = arith.constant 0 : i32
      %dma_wait3A_169 = tpu.memref_slice %arg2[%add3A, %dma_wait3A_167, %dma_wait3A_168] : memref<32x4x128xi32, #tpu.memory_space<hbm>> -> memref<1x4x128xi32, #tpu.memory_space<hbm>>
      %dma_wait3A_170 = tpu.memref_squeeze %dma_wait3A_169 : memref<1x4x128xi32, #tpu.memory_space<hbm>> -> memref<4x128xi32, #tpu.memory_space<hbm>>
      %dma_wait3A_171 = arith.constant 0 : i32
      %dma_wait3A_172 = arith.constant 0 : i32
      %dma_wait3A_173 = tpu.memref_slice %arg2[%add3A, %dma_wait3A_171, %dma_wait3A_172] : memref<32x4x128xi32, #tpu.memory_space<hbm>> -> memref<1x4x128xi32, #tpu.memory_space<hbm>>
      %dma_wait3A_174 = tpu.memref_squeeze %dma_wait3A_173 : memref<1x4x128xi32, #tpu.memory_space<hbm>> -> memref<4x128xi32, #tpu.memory_space<hbm>>
      tpu.wait_dma2 semaphore(%run_scoped3A : memref<!tpu.dma_semaphore, #tpu.memory_space<semaphore_mem>>) src(%dma_wait3A_174 : memref<4x128xi32, #tpu.memory_space<hbm>>) dst(%arg7 : memref<4x128xi32, #tpu.memory_space<vmem>>)
      tpu.yield
    }) : () -> ()
    "tpu.region"() ({
      %run_scoped3A = tpu.sem_alloc : memref<!tpu.dma_semaphore, #tpu.memory_space<semaphore_mem>>
      %dma_start3A_159 = arith.constant 0 : i32
      %dma_start3A_160 = arith.constant 0 : i32
      %dma_start3A_161 = tpu.memref_slice %arg3[%add3A, %dma_start3A_159, %dma_start3A_160] : memref<32x4x128xi32, #tpu.memory_space<hbm>> -> memref<1x4x128xi32, #tpu.memory_space<hbm>>
      %dma_start3A_162 = tpu.memref_squeeze %dma_start3A_161 : memref<1x4x128xi32, #tpu.memory_space<hbm>> -> memref<4x128xi32, #tpu.memory_space<hbm>>
      %dma_start3A_163 = arith.constant 0 : i32
      %dma_start3A_164 = arith.constant 0 : i32
      %dma_start3A_165 = tpu.memref_slice %arg3[%add3A, %dma_start3A_163, %dma_start3A_164] : memref<32x4x128xi32, #tpu.memory_space<hbm>> -> memref<1x4x128xi32, #tpu.memory_space<hbm>>
      %dma_start3A_166 = tpu.memref_squeeze %dma_start3A_165 : memref<1x4x128xi32, #tpu.memory_space<hbm>> -> memref<4x128xi32, #tpu.memory_space<hbm>>
      tpu.enqueue_dma source(%dma_start3A_166 : memref<4x128xi32, #tpu.memory_space<hbm>>) target(%arg8 : memref<4x128xi32, #tpu.memory_space<vmem>>) target_semaphore(%run_scoped3A : memref<!tpu.dma_semaphore, #tpu.memory_space<semaphore_mem>>)
      %dma_wait3A_167 = arith.constant 0 : i32
      %dma_wait3A_168 = arith.constant 0 : i32
      %dma_wait3A_169 = tpu.memref_slice %arg3[%add3A, %dma_wait3A_167, %dma_wait3A_168] : memref<32x4x128xi32, #tpu.memory_space<hbm>> -> memref<1x4x128xi32, #tpu.memory_space<hbm>>
      %dma_wait3A_170 = tpu.memref_squeeze %dma_wait3A_169 : memref<1x4x128xi32, #tpu.memory_space<hbm>> -> memref<4x128xi32, #tpu.memory_space<hbm>>
      %dma_wait3A_171 = arith.constant 0 : i32
      %dma_wait3A_172 = arith.constant 0 : i32
      %dma_wait3A_173 = tpu.memref_slice %arg3[%add3A, %dma_wait3A_171, %dma_wait3A_172] : memref<32x4x128xi32, #tpu.memory_space<hbm>> -> memref<1x4x128xi32, #tpu.memory_space<hbm>>
      %dma_wait3A_174 = tpu.memref_squeeze %dma_wait3A_173 : memref<1x4x128xi32, #tpu.memory_space<hbm>> -> memref<4x128xi32, #tpu.memory_space<hbm>>
      tpu.wait_dma2 semaphore(%run_scoped3A : memref<!tpu.dma_semaphore, #tpu.memory_space<semaphore_mem>>) src(%dma_wait3A_174 : memref<4x128xi32, #tpu.memory_space<hbm>>) dst(%arg8 : memref<4x128xi32, #tpu.memory_space<vmem>>)
      tpu.yield
    }) : () -> ()
    %dma_start3A = arith.constant 0 : i32
    %dma_start3A_1 = arith.constant 0 : i32
    %dma_start3A_2 = arith.constant 0 : i32
    %dma_start3A_3 = tpu.memref_slice %arg9[%dma_start3A_1, %dma_start3A_2] : memref<512x128xf32, #tpu.memory_space<vmem>> -> memref<128x128xf32, #tpu.memory_space<vmem>>
    %dma_start3A_4 = arith.constant 0 : i32
    %dma_start3A_5 = tpu.memref_slice %arg8[%dma_start3A, %dma_start3A_4] : memref<4x128xi32, #tpu.memory_space<vmem>> -> memref<1x128xi32, #tpu.memory_space<vmem>>
    %dma_start3A_6 = tpu.memref_squeeze %dma_start3A_5 : memref<1x128xi32, #tpu.memory_space<vmem>> -> memref<128xi32, #tpu.memory_space<vmem>>
    %dma_start3A_7 = arith.constant 0 : i32
    %dma_start3A_8 = arith.constant 0 : i32
    %dma_start3A_9 = tpu.memref_slice %arg4[%dma_start3A_7, %dma_start3A_8] : memref<16384x128xf32, #tpu.memory_space<hbm>> -> memref<16384x128xf32, #tpu.memory_space<hbm>>
    tpu.enqueue_indirect_dma source(%dma_start3A_9 : memref<16384x128xf32, #tpu.memory_space<hbm>>) target(%dma_start3A_3 : memref<128x128xf32, #tpu.memory_space<vmem>>) offsets(%dma_start3A_6 : memref<128xi32, #tpu.memory_space<vmem>>) semaphore(%arg10 : memref<!tpu.dma_semaphore, #tpu.memory_space<semaphore_mem>>)
    %dma_start3A_10 = arith.constant 1 : i32
    %dma_start3A_11 = arith.constant 128 : i32
    %dma_start3A_12 = arith.constant 0 : i32
    %dma_start3A_13 = tpu.memref_slice %arg9[%dma_start3A_11, %dma_start3A_12] : memref<512x128xf32, #tpu.memory_space<vmem>> -> memref<128x128xf32, #tpu.memory_space<vmem>>
    %dma_start3A_14 = arith.constant 0 : i32
    %dma_start3A_15 = tpu.memref_slice %arg8[%dma_start3A_10, %dma_start3A_14] : memref<4x128xi32, #tpu.memory_space<vmem>> -> memref<1x128xi32, #tpu.memory_space<vmem>>
    %dma_start3A_16 = tpu.memref_squeeze %dma_start3A_15 : memref<1x128xi32, #tpu.memory_space<vmem>> -> memref<128xi32, #tpu.memory_space<vmem>>
    %dma_start3A_17 = arith.constant 0 : i32
    %dma_start3A_18 = arith.constant 0 : i32
    %dma_start3A_19 = tpu.memref_slice %arg4[%dma_start3A_17, %dma_start3A_18] : memref<16384x128xf32, #tpu.memory_space<hbm>> -> memref<16384x128xf32, #tpu.memory_space<hbm>>
    tpu.enqueue_indirect_dma source(%dma_start3A_19 : memref<16384x128xf32, #tpu.memory_space<hbm>>) target(%dma_start3A_13 : memref<128x128xf32, #tpu.memory_space<vmem>>) offsets(%dma_start3A_16 : memref<128xi32, #tpu.memory_space<vmem>>) semaphore(%arg10 : memref<!tpu.dma_semaphore, #tpu.memory_space<semaphore_mem>>)
    %dma_start3A_20 = arith.constant 2 : i32
    %dma_start3A_21 = arith.constant 256 : i32
    %dma_start3A_22 = arith.constant 0 : i32
    %dma_start3A_23 = tpu.memref_slice %arg9[%dma_start3A_21, %dma_start3A_22] : memref<512x128xf32, #tpu.memory_space<vmem>> -> memref<128x128xf32, #tpu.memory_space<vmem>>
    %dma_start3A_24 = arith.constant 0 : i32
    %dma_start3A_25 = tpu.memref_slice %arg8[%dma_start3A_20, %dma_start3A_24] : memref<4x128xi32, #tpu.memory_space<vmem>> -> memref<1x128xi32, #tpu.memory_space<vmem>>
    %dma_start3A_26 = tpu.memref_squeeze %dma_start3A_25 : memref<1x128xi32, #tpu.memory_space<vmem>> -> memref<128xi32, #tpu.memory_space<vmem>>
    %dma_start3A_27 = arith.constant 0 : i32
    %dma_start3A_28 = arith.constant 0 : i32
    %dma_start3A_29 = tpu.memref_slice %arg4[%dma_start3A_27, %dma_start3A_28] : memref<16384x128xf32, #tpu.memory_space<hbm>> -> memref<16384x128xf32, #tpu.memory_space<hbm>>
    tpu.enqueue_indirect_dma source(%dma_start3A_29 : memref<16384x128xf32, #tpu.memory_space<hbm>>) target(%dma_start3A_23 : memref<128x128xf32, #tpu.memory_space<vmem>>) offsets(%dma_start3A_26 : memref<128xi32, #tpu.memory_space<vmem>>) semaphore(%arg10 : memref<!tpu.dma_semaphore, #tpu.memory_space<semaphore_mem>>)
    %dma_start3A_30 = arith.constant 3 : i32
    %dma_start3A_31 = arith.constant 384 : i32
    %dma_start3A_32 = arith.constant 0 : i32
    %dma_start3A_33 = tpu.memref_slice %arg9[%dma_start3A_31, %dma_start3A_32] : memref<512x128xf32, #tpu.memory_space<vmem>> -> memref<128x128xf32, #tpu.memory_space<vmem>>
    %dma_start3A_34 = arith.constant 0 : i32
    %dma_start3A_35 = tpu.memref_slice %arg8[%dma_start3A_30, %dma_start3A_34] : memref<4x128xi32, #tpu.memory_space<vmem>> -> memref<1x128xi32, #tpu.memory_space<vmem>>
    %dma_start3A_36 = tpu.memref_squeeze %dma_start3A_35 : memref<1x128xi32, #tpu.memory_space<vmem>> -> memref<128xi32, #tpu.memory_space<vmem>>
    %dma_start3A_37 = arith.constant 0 : i32
    %dma_start3A_38 = arith.constant 0 : i32
    %dma_start3A_39 = tpu.memref_slice %arg4[%dma_start3A_37, %dma_start3A_38] : memref<16384x128xf32, #tpu.memory_space<hbm>> -> memref<16384x128xf32, #tpu.memory_space<hbm>>
    tpu.enqueue_indirect_dma source(%dma_start3A_39 : memref<16384x128xf32, #tpu.memory_space<hbm>>) target(%dma_start3A_33 : memref<128x128xf32, #tpu.memory_space<vmem>>) offsets(%dma_start3A_36 : memref<128xi32, #tpu.memory_space<vmem>>) semaphore(%arg10 : memref<!tpu.dma_semaphore, #tpu.memory_space<semaphore_mem>>)
    %dma_wait3A = arith.constant 0 : i32
    %dma_wait3A_40 = arith.constant 0 : i32
    %dma_wait3A_41 = arith.constant 0 : i32
    %dma_wait3A_42 = tpu.memref_slice %arg9[%dma_wait3A_40, %dma_wait3A_41] : memref<512x128xf32, #tpu.memory_space<vmem>> -> memref<128x128xf32, #tpu.memory_space<vmem>>
    %dma_wait3A_43 = arith.constant 0 : i32
    %dma_wait3A_44 = tpu.memref_slice %arg8[%dma_wait3A, %dma_wait3A_43] : memref<4x128xi32, #tpu.memory_space<vmem>> -> memref<1x128xi32, #tpu.memory_space<vmem>>
    %dma_wait3A_45 = tpu.memref_squeeze %dma_wait3A_44 : memref<1x128xi32, #tpu.memory_space<vmem>> -> memref<128xi32, #tpu.memory_space<vmem>>
    %dma_wait3A_46 = arith.constant 0 : i32
    %dma_wait3A_47 = arith.constant 0 : i32
    %dma_wait3A_48 = tpu.memref_slice %arg4[%dma_wait3A_46, %dma_wait3A_47] : memref<16384x128xf32, #tpu.memory_space<hbm>> -> memref<16384x128xf32, #tpu.memory_space<hbm>>
    tpu.wait_indirect_dma semaphore(%arg10 : memref<!tpu.dma_semaphore, #tpu.memory_space<semaphore_mem>>) src(%dma_wait3A_48 : memref<16384x128xf32, #tpu.memory_space<hbm>>) dst(%dma_wait3A_42 : memref<128x128xf32, #tpu.memory_space<vmem>>)
    %dma_wait3A_49 = arith.constant 1 : i32
    %dma_wait3A_50 = arith.constant 128 : i32
    %dma_wait3A_51 = arith.constant 0 : i32
    %dma_wait3A_52 = tpu.memref_slice %arg9[%dma_wait3A_50, %dma_wait3A_51] : memref<512x128xf32, #tpu.memory_space<vmem>> -> memref<128x128xf32, #tpu.memory_space<vmem>>
    %dma_wait3A_53 = arith.constant 0 : i32
    %dma_wait3A_54 = tpu.memref_slice %arg8[%dma_wait3A_49, %dma_wait3A_53] : memref<4x128xi32, #tpu.memory_space<vmem>> -> memref<1x128xi32, #tpu.memory_space<vmem>>
    %dma_wait3A_55 = tpu.memref_squeeze %dma_wait3A_54 : memref<1x128xi32, #tpu.memory_space<vmem>> -> memref<128xi32, #tpu.memory_space<vmem>>
    %dma_wait3A_56 = arith.constant 0 : i32
    %dma_wait3A_57 = arith.constant 0 : i32
    %dma_wait3A_58 = tpu.memref_slice %arg4[%dma_wait3A_56, %dma_wait3A_57] : memref<16384x128xf32, #tpu.memory_space<hbm>> -> memref<16384x128xf32, #tpu.memory_space<hbm>>
    tpu.wait_indirect_dma semaphore(%arg10 : memref<!tpu.dma_semaphore, #tpu.memory_space<semaphore_mem>>) src(%dma_wait3A_58 : memref<16384x128xf32, #tpu.memory_space<hbm>>) dst(%dma_wait3A_52 : memref<128x128xf32, #tpu.memory_space<vmem>>)
    %dma_wait3A_59 = arith.constant 2 : i32
    %dma_wait3A_60 = arith.constant 256 : i32
    %dma_wait3A_61 = arith.constant 0 : i32
    %dma_wait3A_62 = tpu.memref_slice %arg9[%dma_wait3A_60, %dma_wait3A_61] : memref<512x128xf32, #tpu.memory_space<vmem>> -> memref<128x128xf32, #tpu.memory_space<vmem>>
    %dma_wait3A_63 = arith.constant 0 : i32
    %dma_wait3A_64 = tpu.memref_slice %arg8[%dma_wait3A_59, %dma_wait3A_63] : memref<4x128xi32, #tpu.memory_space<vmem>> -> memref<1x128xi32, #tpu.memory_space<vmem>>
    %dma_wait3A_65 = tpu.memref_squeeze %dma_wait3A_64 : memref<1x128xi32, #tpu.memory_space<vmem>> -> memref<128xi32, #tpu.memory_space<vmem>>
    %dma_wait3A_66 = arith.constant 0 : i32
    %dma_wait3A_67 = arith.constant 0 : i32
    %dma_wait3A_68 = tpu.memref_slice %arg4[%dma_wait3A_66, %dma_wait3A_67] : memref<16384x128xf32, #tpu.memory_space<hbm>> -> memref<16384x128xf32, #tpu.memory_space<hbm>>
    tpu.wait_indirect_dma semaphore(%arg10 : memref<!tpu.dma_semaphore, #tpu.memory_space<semaphore_mem>>) src(%dma_wait3A_68 : memref<16384x128xf32, #tpu.memory_space<hbm>>) dst(%dma_wait3A_62 : memref<128x128xf32, #tpu.memory_space<vmem>>)
    %dma_wait3A_69 = arith.constant 3 : i32
    %dma_wait3A_70 = arith.constant 384 : i32
    %dma_wait3A_71 = arith.constant 0 : i32
    %dma_wait3A_72 = tpu.memref_slice %arg9[%dma_wait3A_70, %dma_wait3A_71] : memref<512x128xf32, #tpu.memory_space<vmem>> -> memref<128x128xf32, #tpu.memory_space<vmem>>
    %dma_wait3A_73 = arith.constant 0 : i32
    %dma_wait3A_74 = tpu.memref_slice %arg8[%dma_wait3A_69, %dma_wait3A_73] : memref<4x128xi32, #tpu.memory_space<vmem>> -> memref<1x128xi32, #tpu.memory_space<vmem>>
    %dma_wait3A_75 = tpu.memref_squeeze %dma_wait3A_74 : memref<1x128xi32, #tpu.memory_space<vmem>> -> memref<128xi32, #tpu.memory_space<vmem>>
    %dma_wait3A_76 = arith.constant 0 : i32
    %dma_wait3A_77 = arith.constant 0 : i32
    %dma_wait3A_78 = tpu.memref_slice %arg4[%dma_wait3A_76, %dma_wait3A_77] : memref<16384x128xf32, #tpu.memory_space<hbm>> -> memref<16384x128xf32, #tpu.memory_space<hbm>>
    tpu.wait_indirect_dma semaphore(%arg10 : memref<!tpu.dma_semaphore, #tpu.memory_space<semaphore_mem>>) src(%dma_wait3A_78 : memref<16384x128xf32, #tpu.memory_space<hbm>>) dst(%dma_wait3A_72 : memref<128x128xf32, #tpu.memory_space<vmem>>)
    %dma_start3A_79 = arith.constant 0 : i32
    %dma_start3A_80 = arith.constant 0 : i32
    %dma_start3A_81 = arith.constant 0 : i32
    %dma_start3A_82 = tpu.memref_slice %arg9[%dma_start3A_80, %dma_start3A_81] : memref<512x128xf32, #tpu.memory_space<vmem>> -> memref<128x128xf32, #tpu.memory_space<vmem>>
    %dma_start3A_83 = arith.constant 0 : i32
    %dma_start3A_84 = tpu.memref_slice %arg7[%dma_start3A_79, %dma_start3A_83] : memref<4x128xi32, #tpu.memory_space<vmem>> -> memref<1x128xi32, #tpu.memory_space<vmem>>
    %dma_start3A_85 = tpu.memref_squeeze %dma_start3A_84 : memref<1x128xi32, #tpu.memory_space<vmem>> -> memref<128xi32, #tpu.memory_space<vmem>>
    %dma_start3A_86 = arith.constant 0 : i32
    %dma_start3A_87 = arith.constant 0 : i32
    %dma_start3A_88 = tpu.memref_slice %arg5[%dma_start3A_86, %dma_start3A_87] : memref<1000000x128xf32, #tpu.memory_space<hbm>> -> memref<1000000x128xf32, #tpu.memory_space<hbm>>
    tpu.enqueue_indirect_dma source(%dma_start3A_82 : memref<128x128xf32, #tpu.memory_space<vmem>>) target(%dma_start3A_88 : memref<1000000x128xf32, #tpu.memory_space<hbm>>) offsets(%dma_start3A_85 : memref<128xi32, #tpu.memory_space<vmem>>) semaphore(%arg10 : memref<!tpu.dma_semaphore, #tpu.memory_space<semaphore_mem>>)
    %dma_start3A_89 = arith.constant 1 : i32
    %dma_start3A_90 = arith.constant 128 : i32
    %dma_start3A_91 = arith.constant 0 : i32
    %dma_start3A_92 = tpu.memref_slice %arg9[%dma_start3A_90, %dma_start3A_91] : memref<512x128xf32, #tpu.memory_space<vmem>> -> memref<128x128xf32, #tpu.memory_space<vmem>>
    %dma_start3A_93 = arith.constant 0 : i32
    %dma_start3A_94 = tpu.memref_slice %arg7[%dma_start3A_89, %dma_start3A_93] : memref<4x128xi32, #tpu.memory_space<vmem>> -> memref<1x128xi32, #tpu.memory_space<vmem>>
    %dma_start3A_95 = tpu.memref_squeeze %dma_start3A_94 : memref<1x128xi32, #tpu.memory_space<vmem>> -> memref<128xi32, #tpu.memory_space<vmem>>
    %dma_start3A_96 = arith.constant 0 : i32
    %dma_start3A_97 = arith.constant 0 : i32
    %dma_start3A_98 = tpu.memref_slice %arg5[%dma_start3A_96, %dma_start3A_97] : memref<1000000x128xf32, #tpu.memory_space<hbm>> -> memref<1000000x128xf32, #tpu.memory_space<hbm>>
    tpu.enqueue_indirect_dma source(%dma_start3A_92 : memref<128x128xf32, #tpu.memory_space<vmem>>) target(%dma_start3A_98 : memref<1000000x128xf32, #tpu.memory_space<hbm>>) offsets(%dma_start3A_95 : memref<128xi32, #tpu.memory_space<vmem>>) semaphore(%arg10 : memref<!tpu.dma_semaphore, #tpu.memory_space<semaphore_mem>>)
    %dma_start3A_99 = arith.constant 2 : i32
    %dma_start3A_100 = arith.constant 256 : i32
    %dma_start3A_101 = arith.constant 0 : i32
    %dma_start3A_102 = tpu.memref_slice %arg9[%dma_start3A_100, %dma_start3A_101] : memref<512x128xf32, #tpu.memory_space<vmem>> -> memref<128x128xf32, #tpu.memory_space<vmem>>
    %dma_start3A_103 = arith.constant 0 : i32
    %dma_start3A_104 = tpu.memref_slice %arg7[%dma_start3A_99, %dma_start3A_103] : memref<4x128xi32, #tpu.memory_space<vmem>> -> memref<1x128xi32, #tpu.memory_space<vmem>>
    %dma_start3A_105 = tpu.memref_squeeze %dma_start3A_104 : memref<1x128xi32, #tpu.memory_space<vmem>> -> memref<128xi32, #tpu.memory_space<vmem>>
    %dma_start3A_106 = arith.constant 0 : i32
    %dma_start3A_107 = arith.constant 0 : i32
    %dma_start3A_108 = tpu.memref_slice %arg5[%dma_start3A_106, %dma_start3A_107] : memref<1000000x128xf32, #tpu.memory_space<hbm>> -> memref<1000000x128xf32, #tpu.memory_space<hbm>>
    tpu.enqueue_indirect_dma source(%dma_start3A_102 : memref<128x128xf32, #tpu.memory_space<vmem>>) target(%dma_start3A_108 : memref<1000000x128xf32, #tpu.memory_space<hbm>>) offsets(%dma_start3A_105 : memref<128xi32, #tpu.memory_space<vmem>>) semaphore(%arg10 : memref<!tpu.dma_semaphore, #tpu.memory_space<semaphore_mem>>)
    %dma_start3A_109 = arith.constant 3 : i32
    %dma_start3A_110 = arith.constant 384 : i32
    %dma_start3A_111 = arith.constant 0 : i32
    %dma_start3A_112 = tpu.memref_slice %arg9[%dma_start3A_110, %dma_start3A_111] : memref<512x128xf32, #tpu.memory_space<vmem>> -> memref<128x128xf32, #tpu.memory_space<vmem>>
    %dma_start3A_113 = arith.constant 0 : i32
    %dma_start3A_114 = tpu.memref_slice %arg7[%dma_start3A_109, %dma_start3A_113] : memref<4x128xi32, #tpu.memory_space<vmem>> -> memref<1x128xi32, #tpu.memory_space<vmem>>
    %dma_start3A_115 = tpu.memref_squeeze %dma_start3A_114 : memref<1x128xi32, #tpu.memory_space<vmem>> -> memref<128xi32, #tpu.memory_space<vmem>>
    %dma_start3A_116 = arith.constant 0 : i32
    %dma_start3A_117 = arith.constant 0 : i32
    %dma_start3A_118 = tpu.memref_slice %arg5[%dma_start3A_116, %dma_start3A_117] : memref<1000000x128xf32, #tpu.memory_space<hbm>> -> memref<1000000x128xf32, #tpu.memory_space<hbm>>
    tpu.enqueue_indirect_dma source(%dma_start3A_112 : memref<128x128xf32, #tpu.memory_space<vmem>>) target(%dma_start3A_118 : memref<1000000x128xf32, #tpu.memory_space<hbm>>) offsets(%dma_start3A_115 : memref<128xi32, #tpu.memory_space<vmem>>) semaphore(%arg10 : memref<!tpu.dma_semaphore, #tpu.memory_space<semaphore_mem>>)
    %dma_wait3A_119 = arith.constant 0 : i32
    %dma_wait3A_120 = arith.constant 0 : i32
    %dma_wait3A_121 = arith.constant 0 : i32
    %dma_wait3A_122 = tpu.memref_slice %arg9[%dma_wait3A_120, %dma_wait3A_121] : memref<512x128xf32, #tpu.memory_space<vmem>> -> memref<128x128xf32, #tpu.memory_space<vmem>>
    %dma_wait3A_123 = arith.constant 0 : i32
    %dma_wait3A_124 = tpu.memref_slice %arg7[%dma_wait3A_119, %dma_wait3A_123] : memref<4x128xi32, #tpu.memory_space<vmem>> -> memref<1x128xi32, #tpu.memory_space<vmem>>
    %dma_wait3A_125 = tpu.memref_squeeze %dma_wait3A_124 : memref<1x128xi32, #tpu.memory_space<vmem>> -> memref<128xi32, #tpu.memory_space<vmem>>
    %dma_wait3A_126 = arith.constant 0 : i32
    %dma_wait3A_127 = arith.constant 0 : i32
    %dma_wait3A_128 = tpu.memref_slice %arg5[%dma_wait3A_126, %dma_wait3A_127] : memref<1000000x128xf32, #tpu.memory_space<hbm>> -> memref<1000000x128xf32, #tpu.memory_space<hbm>>
    tpu.wait_indirect_dma semaphore(%arg10 : memref<!tpu.dma_semaphore, #tpu.memory_space<semaphore_mem>>) src(%dma_wait3A_122 : memref<128x128xf32, #tpu.memory_space<vmem>>) dst(%dma_wait3A_128 : memref<1000000x128xf32, #tpu.memory_space<hbm>>)
    %dma_wait3A_129 = arith.constant 1 : i32
    %dma_wait3A_130 = arith.constant 128 : i32
    %dma_wait3A_131 = arith.constant 0 : i32
    %dma_wait3A_132 = tpu.memref_slice %arg9[%dma_wait3A_130, %dma_wait3A_131] : memref<512x128xf32, #tpu.memory_space<vmem>> -> memref<128x128xf32, #tpu.memory_space<vmem>>
    %dma_wait3A_133 = arith.constant 0 : i32
    %dma_wait3A_134 = tpu.memref_slice %arg7[%dma_wait3A_129, %dma_wait3A_133] : memref<4x128xi32, #tpu.memory_space<vmem>> -> memref<1x128xi32, #tpu.memory_space<vmem>>
    %dma_wait3A_135 = tpu.memref_squeeze %dma_wait3A_134 : memref<1x128xi32, #tpu.memory_space<vmem>> -> memref<128xi32, #tpu.memory_space<vmem>>
    %dma_wait3A_136 = arith.constant 0 : i32
    %dma_wait3A_137 = arith.constant 0 : i32
    %dma_wait3A_138 = tpu.memref_slice %arg5[%dma_wait3A_136, %dma_wait3A_137] : memref<1000000x128xf32, #tpu.memory_space<hbm>> -> memref<1000000x128xf32, #tpu.memory_space<hbm>>
    tpu.wait_indirect_dma semaphore(%arg10 : memref<!tpu.dma_semaphore, #tpu.memory_space<semaphore_mem>>) src(%dma_wait3A_132 : memref<128x128xf32, #tpu.memory_space<vmem>>) dst(%dma_wait3A_138 : memref<1000000x128xf32, #tpu.memory_space<hbm>>)
    %dma_wait3A_139 = arith.constant 2 : i32
    %dma_wait3A_140 = arith.constant 256 : i32
    %dma_wait3A_141 = arith.constant 0 : i32
    %dma_wait3A_142 = tpu.memref_slice %arg9[%dma_wait3A_140, %dma_wait3A_141] : memref<512x128xf32, #tpu.memory_space<vmem>> -> memref<128x128xf32, #tpu.memory_space<vmem>>
    %dma_wait3A_143 = arith.constant 0 : i32
    %dma_wait3A_144 = tpu.memref_slice %arg7[%dma_wait3A_139, %dma_wait3A_143] : memref<4x128xi32, #tpu.memory_space<vmem>> -> memref<1x128xi32, #tpu.memory_space<vmem>>
    %dma_wait3A_145 = tpu.memref_squeeze %dma_wait3A_144 : memref<1x128xi32, #tpu.memory_space<vmem>> -> memref<128xi32, #tpu.memory_space<vmem>>
    %dma_wait3A_146 = arith.constant 0 : i32
    %dma_wait3A_147 = arith.constant 0 : i32
    %dma_wait3A_148 = tpu.memref_slice %arg5[%dma_wait3A_146, %dma_wait3A_147] : memref<1000000x128xf32, #tpu.memory_space<hbm>> -> memref<1000000x128xf32, #tpu.memory_space<hbm>>
    tpu.wait_indirect_dma semaphore(%arg10 : memref<!tpu.dma_semaphore, #tpu.memory_space<semaphore_mem>>) src(%dma_wait3A_142 : memref<128x128xf32, #tpu.memory_space<vmem>>) dst(%dma_wait3A_148 : memref<1000000x128xf32, #tpu.memory_space<hbm>>)
    %dma_wait3A_149 = arith.constant 3 : i32
    %dma_wait3A_150 = arith.constant 384 : i32
    %dma_wait3A_151 = arith.constant 0 : i32
    %dma_wait3A_152 = tpu.memref_slice %arg9[%dma_wait3A_150, %dma_wait3A_151] : memref<512x128xf32, #tpu.memory_space<vmem>> -> memref<128x128xf32, #tpu.memory_space<vmem>>
    %dma_wait3A_153 = arith.constant 0 : i32
    %dma_wait3A_154 = tpu.memref_slice %arg7[%dma_wait3A_149, %dma_wait3A_153] : memref<4x128xi32, #tpu.memory_space<vmem>> -> memref<1x128xi32, #tpu.memory_space<vmem>>
    %dma_wait3A_155 = tpu.memref_squeeze %dma_wait3A_154 : memref<1x128xi32, #tpu.memory_space<vmem>> -> memref<128xi32, #tpu.memory_space<vmem>>
    %dma_wait3A_156 = arith.constant 0 : i32
    %dma_wait3A_157 = arith.constant 0 : i32
    %dma_wait3A_158 = tpu.memref_slice %arg5[%dma_wait3A_156, %dma_wait3A_157] : memref<1000000x128xf32, #tpu.memory_space<hbm>> -> memref<1000000x128xf32, #tpu.memory_space<hbm>>
    tpu.wait_indirect_dma semaphore(%arg10 : memref<!tpu.dma_semaphore, #tpu.memory_space<semaphore_mem>>) src(%dma_wait3A_152 : memref<128x128xf32, #tpu.memory_space<vmem>>) dst(%dma_wait3A_158 : memref<1000000x128xf32, #tpu.memory_space<hbm>>)
    return
  }
}

module attributes {stable_mosaic.version = 14 : i64} {
  func.func @_gru_body(%arg0: i32, %arg1: memref<2048x128xf32, #tpu.memory_space<vmem>>, %arg2: memref<2048x128xf32, #tpu.memory_space<vmem>>, %arg3: memref<128x384xf32, #tpu.memory_space<vmem>>, %arg4: memref<128x384xf32, #tpu.memory_space<vmem>>, %arg5: memref<1x384xf32, #tpu.memory_space<vmem>>, %arg6: memref<1x384xf32, #tpu.memory_space<vmem>>, %arg7: memref<2048x128xf32, #tpu.memory_space<vmem>>) attributes {dimension_semantics = [#tpu.dimension_semantics<arbitrary>], iteration_bounds = array<i64: 8>, scalar_prefetch = 0 : i64, scratch_operands = 0 : i64, tpu.core_type = #tpu.core_type<tc>, window_params = [{transform_indices = @transform_0, window_bounds = array<i64: 2048, 128>}, {transform_indices = @transform_1, window_bounds = array<i64: 2048, 128>}, {pipeline_mode = #tpu.pipeline_mode<synchronous>, transform_indices = @transform_2, window_bounds = array<i64: 128, 384>}, {pipeline_mode = #tpu.pipeline_mode<synchronous>, transform_indices = @transform_3, window_bounds = array<i64: 128, 384>}, {pipeline_mode = #tpu.pipeline_mode<synchronous>, transform_indices = @transform_4, window_bounds = array<i64: 1, 384>}, {pipeline_mode = #tpu.pipeline_mode<synchronous>, transform_indices = @transform_5, window_bounds = array<i64: 1, 384>}, {transform_indices = @transform_6, window_bounds = array<i64: 2048, 128>}]} {
    %get3A = arith.constant 0 : index
    %get3A_0 = arith.constant 0 : index
    %get3A_1 = vector.load %arg1[%get3A, %get3A_0] : memref<2048x128xf32, #tpu.memory_space<vmem>>, vector<2048x128xf32>
    %get3A_2 = arith.constant 0 : index
    %get3A_3 = arith.constant 0 : index
    %get3A_4 = vector.load %arg2[%get3A_2, %get3A_3] : memref<2048x128xf32, #tpu.memory_space<vmem>>, vector<2048x128xf32>
    %get3A_5 = arith.constant 0 : index
    %get3A_6 = arith.constant 0 : index
    %get3A_7 = vector.load %arg3[%get3A_5, %get3A_6] : memref<128x384xf32, #tpu.memory_space<vmem>>, vector<128x384xf32>
    %dot_general3A = arith.constant dense<0.000000e+00> : vector<2048x384xf32>
    %dot_general3A_8 = tpu.matmul %get3A_1, %get3A_7, %dot_general3A {dimension_numbers = #tpu.dot_dimension_numbers<[1], [0], [0], [1], [0, 0, 1, 1], [], []>, transpose_lhs_hint = false} : vector<2048x128xf32>, vector<128x384xf32>, vector<2048x384xf32> -> vector<2048x384xf32>
    %get3A_9 = arith.constant 0 : index
    %get3A_10 = arith.constant 0 : index
    %get3A_11 = vector.load %arg5[%get3A_9, %get3A_10] : memref<1x384xf32, #tpu.memory_space<vmem>>, vector<1x384xf32>
    %add3A = vector.broadcast %get3A_11 : vector<1x384xf32> to vector<2048x384xf32>
    %add3A_12 = arith.addf %dot_general3A_8, %add3A : vector<2048x384xf32>
    %get3A_13 = arith.constant 0 : index
    %get3A_14 = arith.constant 0 : index
    %get3A_15 = vector.load %arg4[%get3A_13, %get3A_14] : memref<128x384xf32, #tpu.memory_space<vmem>>, vector<128x384xf32>
    %dot_general3A_16 = arith.constant dense<0.000000e+00> : vector<2048x384xf32>
    %dot_general3A_17 = tpu.matmul %get3A_4, %get3A_15, %dot_general3A_16 {dimension_numbers = #tpu.dot_dimension_numbers<[1], [0], [0], [1], [0, 0, 1, 1], [], []>, transpose_lhs_hint = false} : vector<2048x128xf32>, vector<128x384xf32>, vector<2048x384xf32> -> vector<2048x384xf32>
    %get3A_18 = arith.constant 0 : index
    %get3A_19 = arith.constant 0 : index
    %get3A_20 = vector.load %arg6[%get3A_18, %get3A_19] : memref<1x384xf32, #tpu.memory_space<vmem>>, vector<1x384xf32>
    %add3A_21 = vector.broadcast %get3A_20 : vector<1x384xf32> to vector<2048x384xf32>
    %add3A_22 = arith.addf %dot_general3A_17, %add3A_21 : vector<2048x384xf32>
    %slice3A = vector.extract_strided_slice %add3A_12 {offsets = [0, 0], sizes = [2048, 128], strides = [1, 1]} : vector<2048x384xf32> to vector<2048x128xf32>
    %slice3A_23 = vector.extract_strided_slice %add3A_22 {offsets = [0, 0], sizes = [2048, 128], strides = [1, 1]} : vector<2048x384xf32> to vector<2048x128xf32>
    %add3A_24 = arith.addf %slice3A, %slice3A_23 : vector<2048x128xf32>
    %logistic3A = arith.negf %add3A_24 : vector<2048x128xf32>
    %logistic3A_25 = math.exp %logistic3A : vector<2048x128xf32>
    %logistic3A_26 = arith.constant 1.000000e+00 : f32
    %logistic3A_27 = vector.broadcast %logistic3A_26 : f32 to vector<2048x128xf32>
    %logistic3A_28 = arith.addf %logistic3A_27, %logistic3A_25 : vector<2048x128xf32>
    %logistic3A_29 = arith.divf %logistic3A_27, %logistic3A_28 : vector<2048x128xf32>
    %slice3A_30 = vector.extract_strided_slice %add3A_12 {offsets = [0, 128], sizes = [2048, 128], strides = [1, 1]} : vector<2048x384xf32> to vector<2048x128xf32>
    %slice3A_31 = vector.extract_strided_slice %add3A_22 {offsets = [0, 128], sizes = [2048, 128], strides = [1, 1]} : vector<2048x384xf32> to vector<2048x128xf32>
    %add3A_32 = arith.addf %slice3A_30, %slice3A_31 : vector<2048x128xf32>
    %logistic3A_33 = arith.negf %add3A_32 : vector<2048x128xf32>
    %logistic3A_34 = math.exp %logistic3A_33 : vector<2048x128xf32>
    %logistic3A_35 = arith.constant 1.000000e+00 : f32
    %logistic3A_36 = vector.broadcast %logistic3A_35 : f32 to vector<2048x128xf32>
    %logistic3A_37 = arith.addf %logistic3A_36, %logistic3A_34 : vector<2048x128xf32>
    %logistic3A_38 = arith.divf %logistic3A_36, %logistic3A_37 : vector<2048x128xf32>
    %slice3A_39 = vector.extract_strided_slice %add3A_12 {offsets = [0, 256], sizes = [2048, 128], strides = [1, 1]} : vector<2048x384xf32> to vector<2048x128xf32>
    %slice3A_40 = vector.extract_strided_slice %add3A_22 {offsets = [0, 256], sizes = [2048, 128], strides = [1, 1]} : vector<2048x384xf32> to vector<2048x128xf32>
    %mul3A = arith.mulf %logistic3A_29, %slice3A_40 : vector<2048x128xf32>
    %add3A_41 = arith.addf %slice3A_39, %mul3A : vector<2048x128xf32>
    %tanh3A = math.tanh %add3A_41 : vector<2048x128xf32>
    %sub3A = arith.constant 1.000000e+00 : f32
    %sub3A_42 = vector.broadcast %sub3A : f32 to vector<2048x128xf32>
    %sub3A_43 = arith.subf %sub3A_42, %logistic3A_38 : vector<2048x128xf32>
    %mul3A_44 = arith.mulf %sub3A_43, %tanh3A : vector<2048x128xf32>
    %mul3A_45 = arith.mulf %logistic3A_38, %get3A_4 : vector<2048x128xf32>
    %add3A_46 = arith.addf %mul3A_44, %mul3A_45 : vector<2048x128xf32>
    %swap3A = arith.constant 0 : index
    %swap3A_47 = arith.constant 0 : index
    %swap3A_48 = vector.load %arg7[%swap3A, %swap3A_47] : memref<2048x128xf32, #tpu.memory_space<vmem>>, vector<2048x128xf32>
    tpu.vector_store %arg7[%swap3A, %swap3A_47], %add3A_46 {strides = array<i32>} : memref<2048x128xf32, #tpu.memory_space<vmem>>, vector<2048x128xf32>,
    return
  }
  func.func @transform_0(%arg0: i32) -> (i32, i32) {
    %c0_i32 = arith.constant 0 : i32
    %c0_i32_0 = arith.constant 0 : i32
    return %arg0, %c0_i32 : i32, i32
  }
  func.func @transform_1(%arg0: i32) -> (i32, i32) {
    %c0_i32 = arith.constant 0 : i32
    %c0_i32_0 = arith.constant 0 : i32
    return %arg0, %c0_i32 : i32, i32
  }
  func.func @transform_2(%arg0: i32) -> (i32, i32) {
    %c0_i32 = arith.constant 0 : i32
    %c0_i32_0 = arith.constant 0 : i32
    %c0_i32_1 = arith.constant 0 : i32
    return %c0_i32, %c0_i32_0 : i32, i32
  }
  func.func @transform_3(%arg0: i32) -> (i32, i32) {
    %c0_i32 = arith.constant 0 : i32
    %c0_i32_0 = arith.constant 0 : i32
    %c0_i32_1 = arith.constant 0 : i32
    return %c0_i32, %c0_i32_0 : i32, i32
  }
  func.func @transform_4(%arg0: i32) -> (i32, i32) {
    %c0_i32 = arith.constant 0 : i32
    %c0_i32_0 = arith.constant 0 : i32
    %c0_i32_1 = arith.constant 0 : i32
    return %c0_i32, %c0_i32_0 : i32, i32
  }
  func.func @transform_5(%arg0: i32) -> (i32, i32) {
    %c0_i32 = arith.constant 0 : i32
    %c0_i32_0 = arith.constant 0 : i32
    %c0_i32_1 = arith.constant 0 : i32
    return %c0_i32, %c0_i32_0 : i32, i32
  }
  func.func @transform_6(%arg0: i32) -> (i32, i32) {
    %c0_i32 = arith.constant 0 : i32
    %c0_i32_0 = arith.constant 0 : i32
    return %arg0, %c0_i32 : i32, i32
  }
}

</mosaic_0001>

<sc_bundles>
// kernel: gather_offload_async_start.1
scs
__scs_entry_jumppad:
0x0: {  	(pc) =	sbr.rel $0x88, $3  }
0x1: {  	(tag) =	ssettag $0x0;
	lr =	simm.s32 $0x1  }
0x2: {  	[smem:$0x3F9A] =	sst lr;
	_ =	strace $0xD0000000  }
0x3: {  	_ = 	snop  }
0x4: {  	_ = 	snop  }
0x5: {  	_ = 	snop  }
0x6: {  	_ = 	snop  }
0x7: {  	_ = 	snop  }
__scs_overlays_trampoline_lowered:
0x8: {  	[smem:$0x3FA9] =	sst s0  }
0x9: {  	[smem:$0x3FAA] =	sst s1  }
0xa: {  	[smem:$0x3FAB] =	sst s2  }
0xb: {  	[smem:$0x3FAC] =	sst s3  }
0xc: {  	[smem:$0x3FAD] =	sst s4  }
0xd: {  	[smem:$0x3FAE] =	sst s5  }
0xe: {  	[smem:$0x3FAF] =	sst s6  }
0xf: {  	[smem:$0x3FB0] =	sst s7  }
0x10: {  	[smem:$0x3FB1] =	sst s8  }
0x11: {  	[smem:$0x3FB2] =	sst s9;
	s0 =	simm.s32 @!p0 $0x0  }
0x12: {  	s1 =	sld [smem:$0x3F98];
	s0 =	simm.s32 @p0 $0x1  }
0x13: {  	[smem:$0x3FB3] =	sst s0;
	s0 =	simm.s32 @!p1 $0x0  }
0x14: {  	s2 =	sld [smem:$0x3F97];
	s0 =	simm.s32 @p1 $0x1  }
0x15: {  	[smem:$0x3FB4] =	sst s0;
	s0 =	simm.s32 @!p2 $0x0  }
0x16: {  	s3 =	sld [smem:$0x3FDB];
	s0 =	simm.s32 @p2 $0x1  }
0x17: {  	s4 =	simm.s32 $0x1BF5;
	[smem:$0x3FB6] =	sst s0  }
0x18: {  	s0 =	sld [smem:$0x3F99];
	_ =	swait.ge [sflag:s4], $0x0  }
0x19: {  	s7 =	sld [smem:$0x3F9A]  }
0x1a: {  	s8 =	sadd.s32 $0xFFFFE003, lr  }
0x1b: {  	s9 =	sadd.s32 $0xFFFFFEF7, lr;
	s5 =	simm.s32 $0xFFFFFFFF;
	p2 =	slt.u32 s8, $0xFFFFF086  }
0x1c: {  	p1 =	slt.u32 s9, $0xF7A;
	s5 =	simm.s32 @!p2 $0x0  }
0x1d: {  	s5 =	simm.s32 @p1 $0x1;
	p0 =	seq.s32 s7, s2  }
0x1e: {  	s7 =	smul.u32 @!p0 $0xF7A, s2;
	p2 =	seq.s32 @!p0 s5, $0x0  }
0x1f: {  	s9 =	smul.u32 $0xF7A, s1;
	s8 =	simm.s32 @!p0 $0x1BF5;
	p2 =	por !p2, p0  }
0x20: {  	[sflag:s8] =	ssyncset.s32 @!p0 $0xFFFFF086;
	s6 =	sadd.s32 @!p0 s3, s7;
	s7 =	simm.s32 @!p0 $0x108  }
0x21: {  	s3 =	sadd.s32 s3, s9;
	s6 =	sadd.s32 @!p0 $0x88, s6;
	s7 =	simm.s32 @p2 $0x1082  }
0x22: {  	[simem:s7], [sflag:s8] =	dma.local @!p0 [hbm:s6], $0xF7A  }
0x23: {  	s9 =	sor.u32 $0xD0000000, s2;
	s6 =	simm.s32 $0x108;
	_ =	swait.ge @!p0 [sflag:s8], $0x0  }
0x24: {  	s3 =	sadd.s32 $0x88, s3;
	s6 =	simm.s32 @!p1 $0x1082;
	[sflag:s4] =	ssyncset.s32 $0xFFFFF086  }
0x25: {  	[simem:s6], [sflag:s4] =	dma.local [hbm:s3], $0xF7A  }
0x26: {  	[smem:$0x3F9A] =	sst s1;
	(tag) =	ssettag s2;
	_ =	strace s9  }
0x27: {  	s1 =	sld [smem:$0x3FAA]  }
0x28: {  	s2 =	sld [smem:$0x3FAB]  }
0x29: {  	s4 =	sld [smem:$0x3FAD]  }
0x2a: {  	p0 =	seq.s32 s5, $0x0;
	s5 =	sld [smem:$0x3FAE]  }
0x2b: {  	s6 =	sld [smem:$0x3FAF]  }
0x2c: {  	s7 =	sld [smem:$0x3FB0]  }
0x2d: {  	s3 =	simm.s32 $0x108;
	s8 =	sld [smem:$0x3FB1]  }
0x2e: {  	s3 =	simm.s32 @!p0 $0x1082;
	s9 =	sld [smem:$0x3FB2]  }
0x2f: {  	lr =	sadd.s32 s0, s3;
	s0 =	sld [smem:$0x3FA9]  }
0x30: {  	s3 =	sld [smem:$0x3FAC]  }
0x31: {  	[smem:$0x3FB5] =	sst s10  }
0x32: {  	s10 =	sld [smem:$0x3FB3];
	_ =	sdelay $0x3  }
0x33: {  	p0 =	seq.s32 s10, $0x1;
	s10 =	sld [smem:$0x3FB5];
	_ =	sdelay $0x3  }
0x34: {  	[smem:$0x3FB5] =	sst s10  }
0x35: {  	s10 =	sld [smem:$0x3FB4];
	_ =	sdelay $0x3  }
0x36: {  	p1 =	seq.s32 s10, $0x1;
	s10 =	sld [smem:$0x3FB5];
	_ =	sdelay $0x3  }
0x37: {  	[smem:$0x3FB5] =	sst s10  }
0x38: {  	s10 =	sld [smem:$0x3FB6]  }
0x39: {  	_ = 	snop;
	(pc) =	sbr.ind lr, $3  }
0x3a: {  	_ = 	snop  }
0x3b: {  	_ = 	snop  }
0x3c: {  	p2 =	seq.s32 s10, $0x1;
	s10 =	sld [smem:$0x3FB5]  }
0x3d: {  	_ =	shalt  }
0x3e: {  	_ =	shalt  }
0x3f: {  	_ =	shalt  }
0x40: {  	_ =	shalt  }
0x41: {  	_ =	shalt  }
0x42: {  	_ =	shalt  }
0x43: {  	_ =	shalt  }
0x44: {  	_ =	shalt  }
0x45: {  	_ =	shalt  }
0x46: {  	_ =	shalt  }
0x47: {  	_ =	shalt  }
0x48: {  	_ =	shalt  }
0x49: {  	_ =	shalt  }
0x4a: {  	_ =	shalt  }
0x4b: {  	_ =	shalt  }
0x4c: {  	_ =	shalt  }
0x4d: {  	_ =	shalt  }
0x4e: {  	_ =	shalt  }
0x4f: {  	_ =	shalt  }
0x50: {  	_ =	shalt  }
0x51: {  	_ =	shalt  }
0x52: {  	_ =	shalt  }
0x53: {  	_ =	shalt  }
0x54: {  	_ =	shalt  }
0x55: {  	_ =	shalt  }
0x56: {  	_ =	shalt  }
0x57: {  	_ =	shalt  }
0x58: {  	_ =	shalt  }
0x59: {  	_ =	shalt  }
0x5a: {  	_ =	shalt  }
0x5b: {  	_ =	shalt  }
0x5c: {  	_ =	shalt  }
0x5d: {  	_ =	shalt  }
0x5e: {  	_ =	shalt  }
0x5f: {  	_ =	shalt  }
0x60: {  	_ =	shalt  }
0x61: {  	_ =	shalt  }
0x62: {  	_ =	shalt  }
0x63: {  	_ =	shalt  }
0x64: {  	_ =	shalt  }
0x65: {  	_ =	shalt  }
0x66: {  	_ =	shalt  }
0x67: {  	_ =	shalt  }
0x68: {  	_ =	shalt  }
0x69: {  	_ =	shalt  }
0x6a: {  	_ =	shalt  }
0x6b: {  	_ =	shalt  }
0x6c: {  	_ =	shalt  }
0x6d: {  	_ =	shalt  }
0x6e: {  	_ =	shalt  }
0x6f: {  	_ =	shalt  }
0x70: {  	_ =	shalt  }
0x71: {  	_ =	shalt  }
0x72: {  	_ =	shalt  }
0x73: {  	_ =	shalt  }
0x74: {  	_ =	shalt  }
0x75: {  	_ =	shalt  }
0x76: {  	_ =	shalt  }
0x77: {  	_ =	shalt  }
0x78: {  	_ =	shalt  }
0x79: {  	_ =	shalt  }
0x7a: {  	_ =	shalt  }
0x7b: {  	_ =	shalt  }
0x7c: {  	_ =	shalt  }
0x7d: {  	_ =	shalt  }
0x7e: {  	_ =	shalt  }
0x7f: {  	_ =	shalt  }
0x80: {  	_ =	shalt  }
0x81: {  	_ =	shalt  }
0x82: {  	_ =	shalt  }
0x83: {  	_ =	shalt  }
0x84: {  	_ =	shalt  }
0x85: {  	_ =	shalt  }
0x86: {  	_ =	shalt  }
0x87: {  	_ =	shalt  }
.Lfunc_end0:
.L_simem_size_0:
called_computation.1_lowered:
.L_overlay_start_0:
0x88: {  	s2 =	sld [smem:$0x3FD9]  }
0x89: {  	s3 =	sld [smem:$0x3FFE];
	_ =	sdelay $0x1  }
0x8a: {  	s1 =	srdreg.scid  }
0x8b: {  	s0 =	sand.u32 $0x1, s1  }
0x8c: {  	s17 =	sshll.u32 s0, $0xA;
	s2 =	sadd.s32 s3, s2  }
0x8d: {  	s2 =	sadd.s32 s2, s17  }
0x8e: {  	[smem:$0x3FC1] =	sst s2  }
0x8f: {  	_ = 	snop  }
0x90: {  	(tm) =	ssettm $0x1  }
0x91: {  	s18 =	sld [smem:$0x3FFB];
	_ =	sdelay $0x3  }
0x92: {  	_ =	strace s18  }
0x93: {  	s2 =	sld [smem:$0x3FFC];
	_ =	sdelay $0x3  }
0x94: {  	_ =	strace s2  }
0x95: {  	s2 =	sld [smem:$0x3FFD];
	_ =	sdelay $0x3  }
0x96: {  	_ =	strace s2  }
0x97: {  	_ =	strace $0x8FFFFFFF  }
0x98: {  	s19 =	sld [smem:$0x3FDB];
	_ =	sdelay $0x1  }
0x99: {  	s20 =	simm.s32 $_scs_section_size  }
0x9a: {  	s4 =	simm.s32 $_size__tile_overlayer_lowered;
	s5 =	simm.s32 $_tile_overlayer_lowered  }
0x9b: {  	s6 =	simm.s32 $0x1BFF;
	s21 =	sshll.u32 s5, $0x1;
	s3 =	sadd.s32 s20, s19  }
0x9c: {  	s22 =	simm.s32 $0x0;
	s4 =	sshll.u32 s4, $0x1;
	s5 =	sadd.s32 s21, s3  }
0x9d: {  	[timem:s22], [sflag:s6] =	dma.local [hbm:s5], s4  }
0x9e: {  	_ =	swait.ge [sflag:s6], s4  }
0x9f: {  	s4 =	ssub.s32 $0x0, s4;
	[sflag:s6] =	ssyncset.done $0x0  }
0xa0: {  	[sflag:s6] =	ssyncadd.s32 s4;
	_ =	sdelay $0x1  }
0xa1: {  	s23 =	simm.s32 $0x1B8B  }
0xa2: {  	_ =	swait.ge [sflag:s23], $0x1  }
0xa3: {  	[sflag:s23] =	ssyncset.done $0x0  }
0xa4: {  	[sflag:s23] =	ssyncadd.s32 $0xFFFFFFFF  }
0xa5: {  	s4 =	sld [smem:$0x0]  }
0xa6: {  	s5 =	sand.u32 $0xFFFFFFFE, s1  }
0xa7: {  	p0 =	sne.s32 s1, s5  }
0xa8: {  	s5 =	sshll.u32 @p0 s5, $0xE  }
0xa9: {  	s5 =	sadd.s32 @p0 $0x11B8D, s5;
	s6 =	sshll.u32 @p0 s4, $0x11  }
0xaa: {  	s5 =	sor.u32 @p0 s6, s5  }
0xab: {  	[sflag:s5] =	ssyncadd.remote.s32 @p0 $0x1;
	_ =	sdelay $0x1  }
0xac: {  	s5 =	simm.s32 @p0 $0x1B8D  }
0xad: {  	_ =	swait.eq @p0 [sflag:s5], $0x1  }
0xae: {  	[sflag:s5] =	ssyncadd.s32 @p0 $0xFFFFFFFF  }
0xaf: {  	s6 =	sshll.u32 @!p0 s1, $0xE  }
0xb0: {  	s6 =	sor.u32 @!p0 $0x4000, s6;
	s5 =	simm.s32 @!p0 $0x1B8D  }
0xb1: {  	s4 =	sshll.u32 @!p0 s4, $0x11;
	s6 =	sadd.s32 @!p0 $0x11B8D, s6;
	_ =	swait.eq @!p0 [sflag:s5], $0x1  }
0xb2: {  	s4 =	sor.u32 @!p0 s4, s6;
	[sflag:s5] =	ssyncadd.s32 @!p0 $0xFFFFFFFF  }
0xb3: {  	s25 =	simm.s32 $0x1B8E;
	s24 =	sld [smem:$0x3FFE];
	[sflag:s4] =	ssyncadd.remote.s32 @!p0 $0x1  }
0xb4: {  	s26 =	simm.s32 $execute0_lowered;
	[smem:$0x3FD2] =	sst s25  }
0xb5: {  	s5 =	sshll.u32 s26, $0x1;
	_ =	strace $0x8000004C;
	[dreg:$0x1] =	wrdreg $0xFFFFFFFF  }
0xb6: {  	s28 =	simm.s32 $_size_execute0_lowered;
	s3 =	sadd.s32 s3, s5;
	[dreg:$0x0] =	wrdreg $0x0  }
0xb7: {  	s5 =	sshll.u32 s28, $0x1;
	[dreg:$0x2] =	wrdreg s3  }
0xb8: {  	[dreg:$0x3] =	wrdreg s5  }
0xb9: {  	[dreg:$0x4] =	wrdreg $0xC0  }
0xba: {  	_ =	task [dreg:s22], $0x5FFFF  }
0xbb: {  	[dreg:$0x1] =	wrdreg $0xFFFFFFFF  }
0xbc: {  	[dreg:$0x0] =	wrdreg $0x60  }
0xbd: {  	[dreg:$0x2] =	wrdreg s24  }
0xbe: {  	[dreg:$0x3] =	wrdreg $0xA  }
0xbf: {  	_ =	task.clear_ibuf [dreg:s22], $0x4FFFF;
	_ =	strace $0x9000004C  }
0xc0: {  	s29 =	simm.s32 $0xA;
	_ =	strace $0x8000004E  }
0xc1: {  	_ =	swait.ge [sflag:s29], $0x1  }
0xc2: {  	[sflag:s29] =	ssyncadd.s32 $0xFFFFFFFF  }
0xc3: {  	_ =	strace $0x9000004E  }
0xc4: {  	_ =	sfence  }
0xc5: {  	s30 =	sld [smem:$0x0];
	_ =	sdelay $0x2  }
0xc6: {  	s31 =	sshll.u32 s1, $0xD;
	s1 =	sshrl.u32 s1, $0x2  }
0xc7: {  	s4 =	sand.u32 $0x4000, s31;
	s1 =	sadd.s32 s1, s30  }
0xc8: {  	s0 =	sor.u32 s4, s0;
	s1 =	sshll.u32 s1, $0x11  }
0xc9: {  	s0 =	sor.u32 s1, s0  }
0xca: {  	s0 =	sadd.s32 $0x8F2B, s0  }
0xcb: {  	[sflag:s0] =	ssyncadd.remote.s32 $0x1  }
0xcc: {  	_ =	sfence.sel $0xFFFF  }
0xcd: {  	[dreg:$0x0] =	wrdreg $0xFFFFFFFF;
	(pc) =	sbr.abs _section_cstart, $3  }
0xce: {  	[dreg:$0x1] =	wrdreg $0xFFFFFFFF  }
0xcf: {  	_ =	task.clear_ibuf [dreg:s22], $0x2FFFF;
	_ =	strace $0x9FFFFFFF  }
0xd0: {  	(tm) =	ssettm $0x7FFFFFFF  }
0xd1: {  	_ =	shalt  }
tec
execute0_lowered:
.L_overlay_start_1:
0x0: {  	(tag) =	ssettag $0x1  }
0x1: {  	s1 =	srdreg.scid  }
0x2: {  	s0 =	stileid.u32;
	s2 =	rddreg [dreg:$0x0];
	s6 =	simm.s32 $0x1  }
0x3: {  	s9 =	simm.s32 $0x1;
	s10 =	simm.s32 $0x3;
	s1 =	sshll.u32 s1, $0x8  }
0x4: {  	s13 =	simm.s32 $0x0;
	s3 =	sshll.u32 s0, $0x9;
	s4 =	sand.u32 $0x100, s1  }
0x5: {  	s12 =	simm.s32 $0x0;
	s5 =	sadd.s32 $0x1800, s2;
	s3 =	sor.u32 s3, s4  }
0x6: {  	s1 =	rddreg [dreg:$0x1];
	_ =	strace $0x8000004D;
	s8 =	ssub.s32 $0x4000, s3  }
.Ltmp0:
0x7: {  	s4 =	sadd.s32 $0x800, s2;
	s7 =	sand.u32 $0x1F00, s8;
	(pc) =	sbr.rel .LBB2_1-.Ltmp0, $4  }
0x8: {  	[sflag:s6] =	ssyncpa.u1 $0x0;
	s11 =	smov.u32 s3;
	p0 =	sne.s32 s7, $0x0  }
0x9: {  	s8 =	sshrl.u32 s8, $0xD;
	s7 =	simm.s32 $0x2;
	s9 =	simm.s32 @!p0 $0x0  }
0xa: {  	[sflag:s7] =	ssyncpa.u1 $0x0;
	p0 =	por $0x0, $0x0;
	s8 =	sadd.s32 s9, s8  }
0xb: {  	vm0 =	vmmov $0xffff;
	[sflag:s10] =	ssyncpa.u1 $0x0;
	s10 =	simm.s32 $0x0;
	s9 =	sadd.s32 $0x1, s8  }
.LBB2_4:
0xc: {  	v2 =	vnsel vm1, $0x0, v2  }
0xd: {  	vm1 =	vgt.s32 v0, $0x0;
	v2 =	vmin.u32 v2, $0x3FFF  }
0xe: {  	v0 =	vnsel vm1, $0x0, v0  }
0xf: {  	v0 =	vmin.u32 v0, $0x3FFF  }
0x10: {  	[tilespmem:s15], [sflag:$0x1] =	stream.indirect_vreg.gather [hbm4b:s2+s10], $0x1, v1, vm0, $0x4038;
	[tilespmem:$0x400] =	vst v63  }
0x11: {  	(ifvalue) =	ssetifvalue $0x7FFFFFFF  }
0x12: {  	[tilespmem:s16], [sflag:$0x1] =	stream.indirect_vreg.gather [hbm4b:s2+s10], $0x1, v2, vm0, $0x4038;
	[tilespmem:$0x400] =	vst v63  }
0x13: {  	s29 =	sadd.s32 $0x10, s16;
	(ifvalue) =	ssetifvalue $0x7FFFFFFF  }
0x14: {  	[tilespmem:s29], [sflag:$0x1] =	stream.indirect_vreg.gather [hbm4b:s2+s10], $0x1, v0, vm0, $0x4038;
	[tilespmem:$0x400] =	vst v63  }
0x15: {  	_ =	swait.ge [sflag:s6], $0x100  }
0x16: {  	s30 =	sshrl.u32 s13, $0x3;
	[sflag:s6] =	ssyncset.done $0x0  }
0x17: {  	s31 =	sand.u32 $0x7, s13;
	s15 =	sadd.s32 s5, s30;
	[sflag:s6] =	ssyncadd.s32 $0xFFFFFF00  }
0x18: {  	[hbm4b:s15+s31] =	stream.linear.scatter [tilespmem:s14], [sflag:$0x3], $0x100, $0x38;
	[tilespmem:$0x400] =	vst v63  }
.LBB2_5:
0x19: {  	s15 =	sadd.s32 $0x2000, s11  }
0x1a: {  	p2 =	sgt.s32 s15, $0x3FFF  }
0x1b: {  	s15 =	smov.u32 @p2 s3;
	p2 =	sne.s32 s12, s9  }
.Ltmp1:
0x1c: {  	p1 =	slt.u32 s12, $0x2;
	(pc) =	sbr.rel @!p2 .LBB2_6-.Ltmp1, $4  }
0x1d: {  	s14 =	simm.s32 @!p1 $0x3  }
0x1e: {  	s16 =	sadd.s32 $0x1, s12;
	_ =	swait.ge @!p1 [sflag:s14], $0x100  }
0x1f: {  	s13 =	smov.u32 s11;
	p0 =	por !p0, !p0;
	[sflag:s14] =	ssyncset.done @!p1 $0x0  }
0x20: {  	s12 =	smov.u32 s16;
	s11 =	smov.u32 s15;
	[sflag:s14] =	ssyncadd.s32 @!p1 $0xFFFFFF00  }
.LBB2_1:
0x21: {  	p1 =	sge.u32 s12, s8  }
0x22: {  	s14 =	sxor.u32 @!p1 $0xFFFFFFFF, s12  }
0x23: {  	s31 =	sadd.s32 $0xFFFFFFFF, s12;
	s15 =	sshrl.u32 @!p1 s11, $0x3;
	s14 =	sshll.u32 @!p1 s14, $0x8  }
0x24: {  	s16 =	sand.u32 @!p1 $0x7, s11;
	s15 =	sadd.s32 @!p1 s4, s15;
	s14 =	sand.u32 @!p1 $0x100, s14  }
0x25: {  	[tilespmem:s14], [sflag:$0x2] =	stream.linear.gather @!p1 [hbm4b:s15+s16], $0x100, $0x38;
	[tilespmem:$0x400] =	vst v63  }
0x26: {  	p1 =	sge.u32 s31, s8  }
.Ltmp2:
0x27: {  	_ = 	snop;
	(pc) =	sbr.rel @p1 .LBB2_5-.Ltmp2, $1  }
0x28: {  	_ =	sdelay $0x3  }
0x29: {  	s14 =	simm.s32 $0x1  }
0x2a: {  	_ =	swait.ge [sflag:s7], $0x100;
	s14 =	simm.s32 @!p0 $0x0  }
0x2b: {  	[sflag:s7] =	ssyncset.done $0x0;
	s14 =	sshll.u32 s14, $0x8  }
0x2c: {  	[sflag:s7] =	ssyncadd.s32 $0xFFFFFF00;
	(ifvalue) =	ssetifvalue $0x7FFFFFFF;
	v0 =	vld.msk [tilespmem:s14+$0x0 ss:$0x1], $0xffff;
	_ =	sdelay $0x4  }
0x2d: {  	s15 =	sadd.s32 $0x10, s14;
	vm1 =	vgt.s32 v0, $0x0  }
0x2e: {  	v2 =	vld.msk [tilespmem:s15+$0x0 ss:$0x1], $0xffff;
	v1 =	vnsel vm1, $0x0, v0  }
0x2f: {  	v1 =	vmin.u32 v1, $0x3FFF;
	_ =	sdelay $0x1  }
0x30: {  	s16 =	sshll.u32 s12, $0x8;
	s18 =	simm.s32 $0x20  }
0x31: {  	s16 =	sand.u32 $0x100, s16;
	s17 =	sadd.s32 $0x10, s15;
	s15 =	sor.u32 $0x200, s14  }
0x32: {  	s14 =	sor.u32 $0x200, s16;
	s16 =	sadd.s32 $0x10, s15;
	v0 =	vld.msk [tilespmem:s17+$0x0 ss:$0x1], $0xffff;
	vm1 =	vgt.s32 v2, $0x0;
	(ifvalue) =	ssetifvalue $0x7FFFFFFF  }
.LBB2_3:
0x33: {  	[tilespmem:s15], [sflag:$0x1] =	stream.indirect_vreg.gather [hbm4b:s2+s10], $0x1, v1, vm0, $0x4038;
	[tilespmem:$0x400] =	vst v63  }
0x34: {  	s18 =	sadd.s32 $0x10, s18  }
0x35: {  	v2 =	vnsel vm1, $0x0, v2;
	p1 =	slt.u32 s18, $0xF0  }
.Ltmp3:
0x36: {  	s15 =	smov.u32 s16;
	v1 =	vmin.u32 v2, $0x3FFF;
	(pc) =	sbr.rel @p1 .LBB2_3-.Ltmp3, $3  }
0x37: {  	_ =	sdelay $0x1  }
0x38: {  	s17 =	sadd.s32 $0x10, s17  }
0x39: {  	vm1 =	vgt.s32 v0, $0x0;
	s16 =	sadd.s32 $0x10, s16;
	v2 =	vmov v0;
	(ifvalue) =	ssetifvalue $0x7FFFFFFF;
	v0 =	vld.msk [tilespmem:s17+$0x0 ss:$0x1], $0xffff  }
.Ltmp4:
0x3a: {  	_ = 	snop;
	(pc) =	sbr.rel .LBB2_4-.Ltmp4, $1  }
0x3b: {  	_ =	sdelay $0x3  }
.LBB2_6:
0x3c: {  	_ =	sfence.sel $0x180000  }
0x3d: {  	s2 =	simm.s32 $0x2;
	[bflag:$0x0] =	sbarrier.arrive $0xFFFF  }
0x3e: {  	s30 =	simm.s32 $0x3;
	[sflag:s2] =	ssyncpa.u1 $0x1  }
0x3f: {  	s31 =	simm.s32 $0x1;
	[sflag:s30] =	ssyncpa.u1 $0x1  }
0x40: {  	[sflag:s31] =	ssyncpa.u1 $0x1  }
0x41: {  	p0 =	sne.s32 s0, $0x0;
	_ =	strace $0x9000004D  }
0x42: {  	s0 =	sadd.s32 @!p0 $0x100000, s1;
	[bflag:$0x2] =	sbarrier.arrive $0xFFFF  }
0x43: {  	[sflag:s0] =	ssyncadd.tile.s32 @!p0 $0x1;
	_ =	shalt  }
.Lfunc_end2:
_tile_overlayer_lowered:
.L_overlay_start_2:
0x44: {  	(tag) =	ssettag $0x2  }
0x45: {  	s0 =	rddreg [dreg:$0x0];
	s2 =	stileid.u32  }
0x46: {  	s1 =	rddreg [dreg:$0x1];
	p0 =	sne.s32 s2, $0x0  }
0x47: {  	s3 =	rddreg [dreg:$0x2];
	[bflag:$0x3] =	sbarrier.arrive $0xFFFF;
	s2 =	simm.s32 @!p0 $0x1C01  }
0x48: {  	[timem:s3], [sflag:s2] =	dma.local @!p0 [hbm:s0], s1  }
0x49: {  	s0 =	simm.s32 @!p0 $0x1  }
0x4a: {  	_ =	swait.ge @!p0 [sflag:s0], s1  }
0x4b: {  	s1 =	ssub.s32 @!p0 $0x0, s1;
	[sflag:s0] =	ssyncset.done @!p0 $0x0  }
0x4c: {  	[sflag:s0] =	ssyncadd.s32 @!p0 s1  }
0x4d: {  	[bflag:$0x3] =	sbarrier.arrive $0xFFFF  }
0x4e: {  	_ =	shalt  }

// kernel: gather_offload_async_start
scs
__scs_entry_jumppad:
0x0: {  	(pc) =	sbr.rel $0x88, $3  }
0x1: {  	(tag) =	ssettag $0x0;
	lr =	simm.s32 $0x1  }
0x2: {  	[smem:$0x3F9A] =	sst lr;
	_ =	strace $0xD0000000  }
0x3: {  	_ = 	snop  }
0x4: {  	_ = 	snop  }
0x5: {  	_ = 	snop  }
0x6: {  	_ = 	snop  }
0x7: {  	_ = 	snop  }
__scs_overlays_trampoline_lowered:
0x8: {  	[smem:$0x3FA9] =	sst s0  }
0x9: {  	[smem:$0x3FAA] =	sst s1  }
0xa: {  	[smem:$0x3FAB] =	sst s2  }
0xb: {  	[smem:$0x3FAC] =	sst s3  }
0xc: {  	[smem:$0x3FAD] =	sst s4  }
0xd: {  	[smem:$0x3FAE] =	sst s5  }
0xe: {  	[smem:$0x3FAF] =	sst s6  }
0xf: {  	[smem:$0x3FB0] =	sst s7  }
0x10: {  	[smem:$0x3FB1] =	sst s8  }
0x11: {  	[smem:$0x3FB2] =	sst s9;
	s0 =	simm.s32 @!p0 $0x0  }
0x12: {  	s1 =	sld [smem:$0x3F98];
	s0 =	simm.s32 @p0 $0x1  }
0x13: {  	[smem:$0x3FB3] =	sst s0;
	s0 =	simm.s32 @!p1 $0x0  }
0x14: {  	s2 =	sld [smem:$0x3F97];
	s0 =	simm.s32 @p1 $0x1  }
0x15: {  	[smem:$0x3FB4] =	sst s0;
	s0 =	simm.s32 @!p2 $0x0  }
0x16: {  	s3 =	sld [smem:$0x3FDB];
	s0 =	simm.s32 @p2 $0x1  }
0x17: {  	s4 =	simm.s32 $0x1BF5;
	[smem:$0x3FB6] =	sst s0  }
0x18: {  	s0 =	sld [smem:$0x3F99];
	_ =	swait.ge [sflag:s4], $0x0  }
0x19: {  	s7 =	sld [smem:$0x3F9A]  }
0x1a: {  	s8 =	sadd.s32 $0xFFFFE003, lr  }
0x1b: {  	s9 =	sadd.s32 $0xFFFFFEF7, lr;
	s5 =	simm.s32 $0xFFFFFFFF;
	p2 =	slt.u32 s8, $0xFFFFF086  }
0x1c: {  	p1 =	slt.u32 s9, $0xF7A;
	s5 =	simm.s32 @!p2 $0x0  }
0x1d: {  	s5 =	simm.s32 @p1 $0x1;
	p0 =	seq.s32 s7, s2  }
0x1e: {  	s7 =	smul.u32 @!p0 $0xF7A, s2;
	p2 =	seq.s32 @!p0 s5, $0x0  }
0x1f: {  	s9 =	smul.u32 $0xF7A, s1;
	s8 =	simm.s32 @!p0 $0x1BF5;
	p2 =	por !p2, p0  }
0x20: {  	[sflag:s8] =	ssyncset.s32 @!p0 $0xFFFFF086;
	s6 =	sadd.s32 @!p0 s3, s7;
	s7 =	simm.s32 @!p0 $0x108  }
0x21: {  	s3 =	sadd.s32 s3, s9;
	s6 =	sadd.s32 @!p0 $0x88, s6;
	s7 =	simm.s32 @p2 $0x1082  }
0x22: {  	[simem:s7], [sflag:s8] =	dma.local @!p0 [hbm:s6], $0xF7A  }
0x23: {  	s9 =	sor.u32 $0xD0000000, s2;
	s6 =	simm.s32 $0x108;
	_ =	swait.ge @!p0 [sflag:s8], $0x0  }
0x24: {  	s3 =	sadd.s32 $0x88, s3;
	s6 =	simm.s32 @!p1 $0x1082;
	[sflag:s4] =	ssyncset.s32 $0xFFFFF086  }
0x25: {  	[simem:s6], [sflag:s4] =	dma.local [hbm:s3], $0xF7A  }
0x26: {  	[smem:$0x3F9A] =	sst s1;
	(tag) =	ssettag s2;
	_ =	strace s9  }
0x27: {  	s1 =	sld [smem:$0x3FAA]  }
0x28: {  	s2 =	sld [smem:$0x3FAB]  }
0x29: {  	s4 =	sld [smem:$0x3FAD]  }
0x2a: {  	p0 =	seq.s32 s5, $0x0;
	s5 =	sld [smem:$0x3FAE]  }
0x2b: {  	s6 =	sld [smem:$0x3FAF]  }
0x2c: {  	s7 =	sld [smem:$0x3FB0]  }
0x2d: {  	s3 =	simm.s32 $0x108;
	s8 =	sld [smem:$0x3FB1]  }
0x2e: {  	s3 =	simm.s32 @!p0 $0x1082;
	s9 =	sld [smem:$0x3FB2]  }
0x2f: {  	lr =	sadd.s32 s0, s3;
	s0 =	sld [smem:$0x3FA9]  }
0x30: {  	s3 =	sld [smem:$0x3FAC]  }
0x31: {  	[smem:$0x3FB5] =	sst s10  }
0x32: {  	s10 =	sld [smem:$0x3FB3];
	_ =	sdelay $0x3  }
0x33: {  	p0 =	seq.s32 s10, $0x1;
	s10 =	sld [smem:$0x3FB5];
	_ =	sdelay $0x3  }
0x34: {  	[smem:$0x3FB5] =	sst s10  }
0x35: {  	s10 =	sld [smem:$0x3FB4];
	_ =	sdelay $0x3  }
0x36: {  	p1 =	seq.s32 s10, $0x1;
	s10 =	sld [smem:$0x3FB5];
	_ =	sdelay $0x3  }
0x37: {  	[smem:$0x3FB5] =	sst s10  }
0x38: {  	s10 =	sld [smem:$0x3FB6]  }
0x39: {  	_ = 	snop;
	(pc) =	sbr.ind lr, $3  }
0x3a: {  	_ = 	snop  }
0x3b: {  	_ = 	snop  }
0x3c: {  	p2 =	seq.s32 s10, $0x1;
	s10 =	sld [smem:$0x3FB5]  }
0x3d: {  	_ =	shalt  }
0x3e: {  	_ =	shalt  }
0x3f: {  	_ =	shalt  }
0x40: {  	_ =	shalt  }
0x41: {  	_ =	shalt  }
0x42: {  	_ =	shalt  }
0x43: {  	_ =	shalt  }
0x44: {  	_ =	shalt  }
0x45: {  	_ =	shalt  }
0x46: {  	_ =	shalt  }
0x47: {  	_ =	shalt  }
0x48: {  	_ =	shalt  }
0x49: {  	_ =	shalt  }
0x4a: {  	_ =	shalt  }
0x4b: {  	_ =	shalt  }
0x4c: {  	_ =	shalt  }
0x4d: {  	_ =	shalt  }
0x4e: {  	_ =	shalt  }
0x4f: {  	_ =	shalt  }
0x50: {  	_ =	shalt  }
0x51: {  	_ =	shalt  }
0x52: {  	_ =	shalt  }
0x53: {  	_ =	shalt  }
0x54: {  	_ =	shalt  }
0x55: {  	_ =	shalt  }
0x56: {  	_ =	shalt  }
0x57: {  	_ =	shalt  }
0x58: {  	_ =	shalt  }
0x59: {  	_ =	shalt  }
0x5a: {  	_ =	shalt  }
0x5b: {  	_ =	shalt  }
0x5c: {  	_ =	shalt  }
0x5d: {  	_ =	shalt  }
0x5e: {  	_ =	shalt  }
0x5f: {  	_ =	shalt  }
0x60: {  	_ =	shalt  }
0x61: {  	_ =	shalt  }
0x62: {  	_ =	shalt  }
0x63: {  	_ =	shalt  }
0x64: {  	_ =	shalt  }
0x65: {  	_ =	shalt  }
0x66: {  	_ =	shalt  }
0x67: {  	_ =	shalt  }
0x68: {  	_ =	shalt  }
0x69: {  	_ =	shalt  }
0x6a: {  	_ =	shalt  }
0x6b: {  	_ =	shalt  }
0x6c: {  	_ =	shalt  }
0x6d: {  	_ =	shalt  }
0x6e: {  	_ =	shalt  }
0x6f: {  	_ =	shalt  }
0x70: {  	_ =	shalt  }
0x71: {  	_ =	shalt  }
0x72: {  	_ =	shalt  }
0x73: {  	_ =	shalt  }
0x74: {  	_ =	shalt  }
0x75: {  	_ =	shalt  }
0x76: {  	_ =	shalt  }
0x77: {  	_ =	shalt  }
0x78: {  	_ =	shalt  }
0x79: {  	_ =	shalt  }
0x7a: {  	_ =	shalt  }
0x7b: {  	_ =	shalt  }
0x7c: {  	_ =	shalt  }
0x7d: {  	_ =	shalt  }
0x7e: {  	_ =	shalt  }
0x7f: {  	_ =	shalt  }
0x80: {  	_ =	shalt  }
0x81: {  	_ =	shalt  }
0x82: {  	_ =	shalt  }
0x83: {  	_ =	shalt  }
0x84: {  	_ =	shalt  }
0x85: {  	_ =	shalt  }
0x86: {  	_ =	shalt  }
0x87: {  	_ =	shalt  }
.Lfunc_end0:
.L_simem_size_0:
called_computation_lowered:
.L_overlay_start_0:
0x88: {  	s2 =	sld [smem:$0x3FD9]  }
0x89: {  	s3 =	sld [smem:$0x3FFE];
	_ =	sdelay $0x1  }
0x8a: {  	s1 =	srdreg.scid  }
0x8b: {  	s0 =	sand.u32 $0x1, s1  }
0x8c: {  	s17 =	sshll.u32 s0, $0xA;
	s2 =	sadd.s32 s3, s2  }
0x8d: {  	s2 =	sadd.s32 s2, s17  }
0x8e: {  	[smem:$0x3FC1] =	sst s2  }
0x8f: {  	_ = 	snop  }
0x90: {  	s2 =	sld [smem:$0x3FC8];
	(tm) =	ssettm $0x1  }
0x91: {  	s18 =	sld [smem:$0x3FFB];
	_ =	sdelay $0x3  }
0x92: {  	_ =	strace s18  }
0x93: {  	s3 =	sld [smem:$0x3FFC];
	_ =	sdelay $0x3  }
0x94: {  	_ =	strace s3  }
0x95: {  	s3 =	sld [smem:$0x3FFD];
	_ =	sdelay $0x3  }
0x96: {  	_ =	strace s3  }
0x97: {  	_ =	strace $0x8FFFFFFF  }
0x98: {  	s19 =	sld [smem:$0x3FDB];
	_ =	sdelay $0x1  }
0x99: {  	s4 =	simm.s32 $_scs_section_size  }
0x9a: {  	s5 =	simm.s32 $_size__tile_overlayer_lowered;
	s6 =	simm.s32 $_tile_overlayer_lowered  }
0x9b: {  	s22 =	simm.s32 $0x1BFF;
	s21 =	sshll.u32 s6, $0x1;
	s3 =	sadd.s32 s4, s19  }
0x9c: {  	s7 =	simm.s32 $0x0;
	s20 =	sshll.u32 s5, $0x1;
	s5 =	sadd.s32 s21, s3  }
0x9d: {  	[timem:s7], [sflag:s22] =	dma.local [hbm:s5], s20  }
0x9e: {  	_ =	swait.ge [sflag:s22], s20  }
0x9f: {  	s4 =	ssub.s32 $0x0, s20;
	[sflag:s22] =	ssyncset.done $0x0  }
0xa0: {  	[sflag:s22] =	ssyncadd.s32 s4;
	_ =	sdelay $0x1  }
0xa1: {  	s23 =	simm.s32 $0x1B8B  }
0xa2: {  	_ =	swait.ge [sflag:s23], $0x1  }
0xa3: {  	[sflag:s23] =	ssyncset.done $0x0  }
0xa4: {  	s25 =	simm.s32 $0x1B8E;
	s24 =	sld [smem:$0x3FFE];
	[sflag:s23] =	ssyncadd.s32 $0xFFFFFFFF  }
0xa5: {  	s26 =	simm.s32 $execute0_lowered;
	[smem:$0x3FD2] =	sst s25  }
0xa6: {  	s5 =	sshll.u32 s26, $0x1;
	_ =	strace $0x80000046;
	[dreg:$0x1] =	wrdreg $0xFFFFFFFF  }
0xa7: {  	s28 =	simm.s32 $_size_execute0_lowered;
	s3 =	sadd.s32 s3, s5;
	[dreg:$0x0] =	wrdreg $0x0  }
0xa8: {  	s5 =	sshll.u32 s28, $0x1;
	[dreg:$0x2] =	wrdreg s3  }
0xa9: {  	[dreg:$0x3] =	wrdreg s5  }
0xaa: {  	[dreg:$0x4] =	wrdreg $0xC0  }
0xab: {  	_ =	task [dreg:s7], $0x5FFFF  }
0xac: {  	[dreg:$0x1] =	wrdreg $0xFFFFFFFF  }
0xad: {  	[dreg:$0x0] =	wrdreg $0x60  }
0xae: {  	[dreg:$0x2] =	wrdreg s2  }
0xaf: {  	[dreg:$0x3] =	wrdreg s24  }
0xb0: {  	[dreg:$0x4] =	wrdreg $0xA  }
0xb1: {  	_ =	task.clear_ibuf [dreg:s7], $0x5FFFF;
	_ =	strace $0x90000046  }
0xb2: {  	s29 =	simm.s32 $0xA;
	_ =	strace $0x80000048  }
0xb3: {  	_ =	swait.ge [sflag:s29], $0x1  }
0xb4: {  	[sflag:s29] =	ssyncadd.s32 $0xFFFFFFFF  }
0xb5: {  	_ =	strace $0x90000048  }
0xb6: {  	_ =	sfence  }
0xb7: {  	s30 =	sld [smem:$0x0];
	_ =	sdelay $0x2  }
0xb8: {  	s31 =	sshll.u32 s1, $0xD;
	s1 =	sshrl.u32 s1, $0x2  }
0xb9: {  	s3 =	sand.u32 $0x4000, s31;
	s1 =	sadd.s32 s1, s30  }
0xba: {  	s0 =	sor.u32 s3, s0;
	s1 =	sshll.u32 s1, $0x11  }
0xbb: {  	s0 =	sor.u32 s1, s0  }
0xbc: {  	s0 =	sadd.s32 $0x8F2B, s0  }
0xbd: {  	[sflag:s0] =	ssyncadd.remote.s32 $0x1  }
0xbe: {  	_ =	sfence.sel $0xFFFF  }
0xbf: {  	[dreg:$0x0] =	wrdreg $0xFFFFFFFF;
	(pc) =	sbr.abs _section_cstart, $3  }
0xc0: {  	[dreg:$0x1] =	wrdreg $0xFFFFFFFF  }
0xc1: {  	_ =	task.clear_ibuf [dreg:s7], $0x2FFFF;
	_ =	strace $0x9FFFFFFF  }
0xc2: {  	(tm) =	ssettm $0x7FFFFFFF  }
0xc3: {  	_ =	shalt  }
tec
execute0_lowered:
.L_overlay_start_1:
0x0: {  	(tag) =	ssettag $0x1  }
0x1: {  	s1 =	srdreg.scid;
	s2 =	rddreg [dreg:$0x0]  }
0x2: {  	s0 =	stileid.u32;
	s5 =	rddreg [dreg:$0x1];
	s6 =	simm.s32 $0x1  }
0x3: {  	s9 =	simm.s32 $0x1;
	s10 =	simm.s32 $0x3;
	s1 =	sshll.u32 s1, $0x8  }
0x4: {  	s13 =	simm.s32 $0x0;
	s3 =	sshll.u32 s0, $0x9;
	s4 =	sand.u32 $0x100, s1  }
0x5: {  	s12 =	simm.s32 $0x0;
	s1 =	rddreg [dreg:$0x2];
	s3 =	sor.u32 s3, s4  }
0x6: {  	_ =	strace $0x80000047;
	s4 =	sadd.s32 $0x800, s5;
	s8 =	ssub.s32 $0x4000, s3  }
.Ltmp0:
0x7: {  	s5 =	sadd.s32 $0x1000, s5;
	s7 =	sand.u32 $0x1F00, s8;
	(pc) =	sbr.rel .LBB2_1-.Ltmp0, $4  }
0x8: {  	[sflag:s6] =	ssyncpa.u1 $0x0;
	s11 =	smov.u32 s3;
	p0 =	sne.s32 s7, $0x0  }
0x9: {  	s8 =	sshrl.u32 s8, $0xD;
	s7 =	simm.s32 $0x2;
	s9 =	simm.s32 @!p0 $0x0  }
0xa: {  	[sflag:s7] =	ssyncpa.u1 $0x0;
	p0 =	por $0x0, $0x0;
	s8 =	sadd.s32 s9, s8  }
0xb: {  	vm0 =	vmmov $0xffff;
	[sflag:s10] =	ssyncpa.u1 $0x0;
	s10 =	simm.s32 $0x0;
	s9 =	sadd.s32 $0x1, s8  }
.LBB2_4:
0xc: {  	v2 =	vnsel vm1, $0x0, v2  }
0xd: {  	vm1 =	vgt.s32 v0, $0x0;
	v2 =	vmin.u32 v2, $0x3FFF  }
0xe: {  	v0 =	vnsel vm1, $0x0, v0  }
0xf: {  	v0 =	vmin.u32 v0, $0x3FFF  }
0x10: {  	[tilespmem:s15], [sflag:$0x1] =	stream.indirect_vreg.gather [hbm4b:s2+s10], $0x1, v1, vm0, $0x4038;
	[tilespmem:$0x400] =	vst v63  }
0x11: {  	(ifvalue) =	ssetifvalue $0x7FFFFFFF  }
0x12: {  	[tilespmem:s16], [sflag:$0x1] =	stream.indirect_vreg.gather [hbm4b:s2+s10], $0x1, v2, vm0, $0x4038;
	[tilespmem:$0x400] =	vst v63  }
0x13: {  	s29 =	sadd.s32 $0x10, s16;
	(ifvalue) =	ssetifvalue $0x7FFFFFFF  }
0x14: {  	[tilespmem:s29], [sflag:$0x1] =	stream.indirect_vreg.gather [hbm4b:s2+s10], $0x1, v0, vm0, $0x4038;
	[tilespmem:$0x400] =	vst v63  }
0x15: {  	_ =	swait.ge [sflag:s6], $0x100  }
0x16: {  	s30 =	sshrl.u32 s13, $0x3;
	[sflag:s6] =	ssyncset.done $0x0  }
0x17: {  	s31 =	sand.u32 $0x7, s13;
	s15 =	sadd.s32 s5, s30;
	[sflag:s6] =	ssyncadd.s32 $0xFFFFFF00  }
0x18: {  	[hbm4b:s15+s31] =	stream.linear.scatter [tilespmem:s14], [sflag:$0x3], $0x100, $0x38;
	[tilespmem:$0x400] =	vst v63  }
.LBB2_5:
0x19: {  	s15 =	sadd.s32 $0x2000, s11  }
0x1a: {  	p2 =	sgt.s32 s15, $0x3FFF  }
0x1b: {  	s15 =	smov.u32 @p2 s3;
	p2 =	sne.s32 s12, s9  }
.Ltmp1:
0x1c: {  	p1 =	slt.u32 s12, $0x2;
	(pc) =	sbr.rel @!p2 .LBB2_6-.Ltmp1, $4  }
0x1d: {  	s14 =	simm.s32 @!p1 $0x3  }
0x1e: {  	s16 =	sadd.s32 $0x1, s12;
	_ =	swait.ge @!p1 [sflag:s14], $0x100  }
0x1f: {  	s13 =	smov.u32 s11;
	p0 =	por !p0, !p0;
	[sflag:s14] =	ssyncset.done @!p1 $0x0  }
0x20: {  	s12 =	smov.u32 s16;
	s11 =	smov.u32 s15;
	[sflag:s14] =	ssyncadd.s32 @!p1 $0xFFFFFF00  }
.LBB2_1:
0x21: {  	p1 =	sge.u32 s12, s8  }
0x22: {  	s14 =	sxor.u32 @!p1 $0xFFFFFFFF, s12  }
0x23: {  	s31 =	sadd.s32 $0xFFFFFFFF, s12;
	s15 =	sshrl.u32 @!p1 s11, $0x3;
	s14 =	sshll.u32 @!p1 s14, $0x8  }
0x24: {  	s16 =	sand.u32 @!p1 $0x7, s11;
	s15 =	sadd.s32 @!p1 s4, s15;
	s14 =	sand.u32 @!p1 $0x100, s14  }
0x25: {  	[tilespmem:s14], [sflag:$0x2] =	stream.linear.gather @!p1 [hbm4b:s15+s16], $0x100, $0x38;
	[tilespmem:$0x400] =	vst v63  }
0x26: {  	p1 =	sge.u32 s31, s8  }
.Ltmp2:
0x27: {  	_ = 	snop;
	(pc) =	sbr.rel @p1 .LBB2_5-.Ltmp2, $1  }
0x28: {  	_ =	sdelay $0x3  }
0x29: {  	s14 =	simm.s32 $0x1  }
0x2a: {  	_ =	swait.ge [sflag:s7], $0x100;
	s14 =	simm.s32 @!p0 $0x0  }
0x2b: {  	[sflag:s7] =	ssyncset.done $0x0;
	s14 =	sshll.u32 s14, $0x8  }
0x2c: {  	[sflag:s7] =	ssyncadd.s32 $0xFFFFFF00;
	(ifvalue) =	ssetifvalue $0x7FFFFFFF;
	v0 =	vld.msk [tilespmem:s14+$0x0 ss:$0x1], $0xffff;
	_ =	sdelay $0x4  }
0x2d: {  	s15 =	sadd.s32 $0x10, s14;
	vm1 =	vgt.s32 v0, $0x0  }
0x2e: {  	v2 =	vld.msk [tilespmem:s15+$0x0 ss:$0x1], $0xffff;
	v1 =	vnsel vm1, $0x0, v0  }
0x2f: {  	v1 =	vmin.u32 v1, $0x3FFF;
	_ =	sdelay $0x1  }
0x30: {  	s16 =	sshll.u32 s12, $0x8;
	s18 =	simm.s32 $0x20  }
0x31: {  	s16 =	sand.u32 $0x100, s16;
	s17 =	sadd.s32 $0x10, s15;
	s15 =	sor.u32 $0x200, s14  }
0x32: {  	s14 =	sor.u32 $0x200, s16;
	s16 =	sadd.s32 $0x10, s15;
	v0 =	vld.msk [tilespmem:s17+$0x0 ss:$0x1], $0xffff;
	vm1 =	vgt.s32 v2, $0x0;
	(ifvalue) =	ssetifvalue $0x7FFFFFFF  }
.LBB2_3:
0x33: {  	[tilespmem:s15], [sflag:$0x1] =	stream.indirect_vreg.gather [hbm4b:s2+s10], $0x1, v1, vm0, $0x4038;
	[tilespmem:$0x400] =	vst v63  }
0x34: {  	s18 =	sadd.s32 $0x10, s18  }
0x35: {  	v2 =	vnsel vm1, $0x0, v2;
	p1 =	slt.u32 s18, $0xF0  }
.Ltmp3:
0x36: {  	s15 =	smov.u32 s16;
	v1 =	vmin.u32 v2, $0x3FFF;
	(pc) =	sbr.rel @p1 .LBB2_3-.Ltmp3, $3  }
0x37: {  	_ =	sdelay $0x1  }
0x38: {  	s17 =	sadd.s32 $0x10, s17  }
0x39: {  	vm1 =	vgt.s32 v0, $0x0;
	s16 =	sadd.s32 $0x10, s16;
	v2 =	vmov v0;
	(ifvalue) =	ssetifvalue $0x7FFFFFFF;
	v0 =	vld.msk [tilespmem:s17+$0x0 ss:$0x1], $0xffff  }
.Ltmp4:
0x3a: {  	_ = 	snop;
	(pc) =	sbr.rel .LBB2_4-.Ltmp4, $1  }
0x3b: {  	_ =	sdelay $0x3  }
.LBB2_6:
0x3c: {  	_ =	sfence.sel $0x180000  }
0x3d: {  	s2 =	simm.s32 $0x2;
	[bflag:$0x0] =	sbarrier.arrive $0xFFFF  }
0x3e: {  	s30 =	simm.s32 $0x3;
	[sflag:s2] =	ssyncpa.u1 $0x1  }
0x3f: {  	s31 =	simm.s32 $0x1;
	[sflag:s30] =	ssyncpa.u1 $0x1  }
0x40: {  	[sflag:s31] =	ssyncpa.u1 $0x1  }
0x41: {  	p0 =	sne.s32 s0, $0x0;
	_ =	strace $0x90000047  }
0x42: {  	s0 =	sadd.s32 @!p0 $0x100000, s1;
	[bflag:$0x2] =	sbarrier.arrive $0xFFFF  }
0x43: {  	[sflag:s0] =	ssyncadd.tile.s32 @!p0 $0x1;
	_ =	shalt  }
.Lfunc_end2:
_tile_overlayer_lowered:
.L_overlay_start_2:
0x44: {  	(tag) =	ssettag $0x2  }
0x45: {  	s0 =	rddreg [dreg:$0x0];
	s2 =	stileid.u32  }
0x46: {  	s1 =	rddreg [dreg:$0x1];
	p0 =	sne.s32 s2, $0x0  }
0x47: {  	s3 =	rddreg [dreg:$0x2];
	[bflag:$0x3] =	sbarrier.arrive $0xFFFF;
	s2 =	simm.s32 @!p0 $0x1C01  }
0x48: {  	[timem:s3], [sflag:s2] =	dma.local @!p0 [hbm:s0], s1  }
0x49: {  	s0 =	simm.s32 @!p0 $0x1  }
0x4a: {  	_ =	swait.ge @!p0 [sflag:s0], s1  }
0x4b: {  	s1 =	ssub.s32 @!p0 $0x0, s1;
	[sflag:s0] =	ssyncset.done @!p0 $0x0  }
0x4c: {  	[sflag:s0] =	ssyncadd.s32 @!p0 s1  }
0x4d: {  	[bflag:$0x3] =	sbarrier.arrive $0xFFFF  }
0x4e: {  	_ =	shalt  }

// kernel: kernel.5.cloned.1.call-start
scs
__scs_entry_jumppad:
0x0: {  	(pc) =	sbr.rel $0x88, $3  }
0x1: {  	(tag) =	ssettag $0x0;
	lr =	simm.s32 $0x1  }
0x2: {  	[smem:$0x3F9A] =	sst lr;
	_ =	strace $0xD0000000  }
0x3: {  	_ = 	snop  }
0x4: {  	_ = 	snop  }
0x5: {  	_ = 	snop  }
0x6: {  	_ = 	snop  }
0x7: {  	_ = 	snop  }
__scs_overlays_trampoline_lowered:
0x8: {  	[smem:$0x3FA9] =	sst s0  }
0x9: {  	[smem:$0x3FAA] =	sst s1  }
0xa: {  	[smem:$0x3FAB] =	sst s2  }
0xb: {  	[smem:$0x3FAC] =	sst s3  }
0xc: {  	[smem:$0x3FAD] =	sst s4  }
0xd: {  	[smem:$0x3FAE] =	sst s5  }
0xe: {  	[smem:$0x3FAF] =	sst s6  }
0xf: {  	[smem:$0x3FB0] =	sst s7  }
0x10: {  	[smem:$0x3FB1] =	sst s8  }
0x11: {  	[smem:$0x3FB2] =	sst s9;
	s0 =	simm.s32 @!p0 $0x0  }
0x12: {  	s1 =	sld [smem:$0x3F98];
	s0 =	simm.s32 @p0 $0x1  }
0x13: {  	[smem:$0x3FB3] =	sst s0;
	s0 =	simm.s32 @!p1 $0x0  }
0x14: {  	s2 =	sld [smem:$0x3F97];
	s0 =	simm.s32 @p1 $0x1  }
0x15: {  	[smem:$0x3FB4] =	sst s0;
	s0 =	simm.s32 @!p2 $0x0  }
0x16: {  	s3 =	sld [smem:$0x3FDB];
	s0 =	simm.s32 @p2 $0x1  }
0x17: {  	s4 =	simm.s32 $0x1BF5;
	[smem:$0x3FB6] =	sst s0  }
0x18: {  	s0 =	sld [smem:$0x3F99];
	_ =	swait.ge [sflag:s4], $0x0  }
0x19: {  	s7 =	sld [smem:$0x3F9A]  }
0x1a: {  	s8 =	sadd.s32 $0xFFFFE003, lr  }
0x1b: {  	s9 =	sadd.s32 $0xFFFFFEF7, lr;
	s5 =	simm.s32 $0xFFFFFFFF;
	p2 =	slt.u32 s8, $0xFFFFF086  }
0x1c: {  	p1 =	slt.u32 s9, $0xF7A;
	s5 =	simm.s32 @!p2 $0x0  }
0x1d: {  	s5 =	simm.s32 @p1 $0x1;
	p0 =	seq.s32 s7, s2  }
0x1e: {  	s7 =	smul.u32 @!p0 $0xF7A, s2;
	p2 =	seq.s32 @!p0 s5, $0x0  }
0x1f: {  	s9 =	smul.u32 $0xF7A, s1;
	s8 =	simm.s32 @!p0 $0x1BF5;
	p2 =	por !p2, p0  }
0x20: {  	[sflag:s8] =	ssyncset.s32 @!p0 $0xFFFFF086;
	s6 =	sadd.s32 @!p0 s3, s7;
	s7 =	simm.s32 @!p0 $0x108  }
0x21: {  	s3 =	sadd.s32 s3, s9;
	s6 =	sadd.s32 @!p0 $0x88, s6;
	s7 =	simm.s32 @p2 $0x1082  }
0x22: {  	[simem:s7], [sflag:s8] =	dma.local @!p0 [hbm:s6], $0xF7A  }
0x23: {  	s9 =	sor.u32 $0xD0000000, s2;
	s6 =	simm.s32 $0x108;
	_ =	swait.ge @!p0 [sflag:s8], $0x0  }
0x24: {  	s3 =	sadd.s32 $0x88, s3;
	s6 =	simm.s32 @!p1 $0x1082;
	[sflag:s4] =	ssyncset.s32 $0xFFFFF086  }
0x25: {  	[simem:s6], [sflag:s4] =	dma.local [hbm:s3], $0xF7A  }
0x26: {  	[smem:$0x3F9A] =	sst s1;
	(tag) =	ssettag s2;
	_ =	strace s9  }
0x27: {  	s1 =	sld [smem:$0x3FAA]  }
0x28: {  	s2 =	sld [smem:$0x3FAB]  }
0x29: {  	s4 =	sld [smem:$0x3FAD]  }
0x2a: {  	p0 =	seq.s32 s5, $0x0;
	s5 =	sld [smem:$0x3FAE]  }
0x2b: {  	s6 =	sld [smem:$0x3FAF]  }
0x2c: {  	s7 =	sld [smem:$0x3FB0]  }
0x2d: {  	s3 =	simm.s32 $0x108;
	s8 =	sld [smem:$0x3FB1]  }
0x2e: {  	s3 =	simm.s32 @!p0 $0x1082;
	s9 =	sld [smem:$0x3FB2]  }
0x2f: {  	lr =	sadd.s32 s0, s3;
	s0 =	sld [smem:$0x3FA9]  }
0x30: {  	s3 =	sld [smem:$0x3FAC]  }
0x31: {  	[smem:$0x3FB5] =	sst s10  }
0x32: {  	s10 =	sld [smem:$0x3FB3];
	_ =	sdelay $0x3  }
0x33: {  	p0 =	seq.s32 s10, $0x1;
	s10 =	sld [smem:$0x3FB5];
	_ =	sdelay $0x3  }
0x34: {  	[smem:$0x3FB5] =	sst s10  }
0x35: {  	s10 =	sld [smem:$0x3FB4];
	_ =	sdelay $0x3  }
0x36: {  	p1 =	seq.s32 s10, $0x1;
	s10 =	sld [smem:$0x3FB5];
	_ =	sdelay $0x3  }
0x37: {  	[smem:$0x3FB5] =	sst s10  }
0x38: {  	s10 =	sld [smem:$0x3FB6]  }
0x39: {  	_ = 	snop;
	(pc) =	sbr.ind lr, $3  }
0x3a: {  	_ = 	snop  }
0x3b: {  	_ = 	snop  }
0x3c: {  	p2 =	seq.s32 s10, $0x1;
	s10 =	sld [smem:$0x3FB5]  }
0x3d: {  	_ =	shalt  }
0x3e: {  	_ =	shalt  }
0x3f: {  	_ =	shalt  }
0x40: {  	_ =	shalt  }
0x41: {  	_ =	shalt  }
0x42: {  	_ =	shalt  }
0x43: {  	_ =	shalt  }
0x44: {  	_ =	shalt  }
0x45: {  	_ =	shalt  }
0x46: {  	_ =	shalt  }
0x47: {  	_ =	shalt  }
0x48: {  	_ =	shalt  }
0x49: {  	_ =	shalt  }
0x4a: {  	_ =	shalt  }
0x4b: {  	_ =	shalt  }
0x4c: {  	_ =	shalt  }
0x4d: {  	_ =	shalt  }
0x4e: {  	_ =	shalt  }
0x4f: {  	_ =	shalt  }
0x50: {  	_ =	shalt  }
0x51: {  	_ =	shalt  }
0x52: {  	_ =	shalt  }
0x53: {  	_ =	shalt  }
0x54: {  	_ =	shalt  }
0x55: {  	_ =	shalt  }
0x56: {  	_ =	shalt  }
0x57: {  	_ =	shalt  }
0x58: {  	_ =	shalt  }
0x59: {  	_ =	shalt  }
0x5a: {  	_ =	shalt  }
0x5b: {  	_ =	shalt  }
0x5c: {  	_ =	shalt  }
0x5d: {  	_ =	shalt  }
0x5e: {  	_ =	shalt  }
0x5f: {  	_ =	shalt  }
0x60: {  	_ =	shalt  }
0x61: {  	_ =	shalt  }
0x62: {  	_ =	shalt  }
0x63: {  	_ =	shalt  }
0x64: {  	_ =	shalt  }
0x65: {  	_ =	shalt  }
0x66: {  	_ =	shalt  }
0x67: {  	_ =	shalt  }
0x68: {  	_ =	shalt  }
0x69: {  	_ =	shalt  }
0x6a: {  	_ =	shalt  }
0x6b: {  	_ =	shalt  }
0x6c: {  	_ =	shalt  }
0x6d: {  	_ =	shalt  }
0x6e: {  	_ =	shalt  }
0x6f: {  	_ =	shalt  }
0x70: {  	_ =	shalt  }
0x71: {  	_ =	shalt  }
0x72: {  	_ =	shalt  }
0x73: {  	_ =	shalt  }
0x74: {  	_ =	shalt  }
0x75: {  	_ =	shalt  }
0x76: {  	_ =	shalt  }
0x77: {  	_ =	shalt  }
0x78: {  	_ =	shalt  }
0x79: {  	_ =	shalt  }
0x7a: {  	_ =	shalt  }
0x7b: {  	_ =	shalt  }
0x7c: {  	_ =	shalt  }
0x7d: {  	_ =	shalt  }
0x7e: {  	_ =	shalt  }
0x7f: {  	_ =	shalt  }
0x80: {  	_ =	shalt  }
0x81: {  	_ =	shalt  }
0x82: {  	_ =	shalt  }
0x83: {  	_ =	shalt  }
0x84: {  	_ =	shalt  }
0x85: {  	_ =	shalt  }
0x86: {  	_ =	shalt  }
0x87: {  	_ =	shalt  }
.Lfunc_end0:
.L_simem_size_0:
called_computation.2_lowered:
.L_overlay_start_0:
0x88: {  	s2 =	sld [smem:$0x3FD9]  }
0x89: {  	s3 =	sld [smem:$0x3FFE];
	_ =	sdelay $0x1  }
0x8a: {  	s1 =	srdreg.scid  }
0x8b: {  	s0 =	sand.u32 $0x1, s1  }
0x8c: {  	s16 =	sshll.u32 s0, $0xA;
	s2 =	sadd.s32 s3, s2  }
0x8d: {  	s2 =	sadd.s32 s2, s16  }
0x8e: {  	[smem:$0x3FC1] =	sst s2  }
0x8f: {  	_ = 	snop  }
0x90: {  	s17 =	sld [smem:$0x3FD0];
	_ =	sdelay $0x2  }
0x91: {  	s5 =	simm.s32 $0xB;
	s4 =	simm.s32 $0x10;
	s2 =	sld [smem:$0x3FC8]  }
0x92: {  	[smem:s4], [sflag:s5] =	dma.local [hbm:s17], $0x1  }
0x93: {  	_ =	swait.eq [sflag:s5], $0x1  }
0x94: {  	[sflag:s5] =	ssyncset.done $0x0  }
0x95: {  	s18 =	sld [smem:$0x10];
	[sflag:s5] =	ssyncadd.s32 $0xFFFFFFFF  }
0x96: {  	s19 =	sld [smem:$0x11];
	(tm) =	ssettm $0x1  }
0x97: {  	s20 =	sld [smem:$0x3FFB];
	_ =	sdelay $0x3  }
0x98: {  	_ =	strace s20  }
0x99: {  	s3 =	sld [smem:$0x3FFC];
	_ =	sdelay $0x3  }
0x9a: {  	_ =	strace s3  }
0x9b: {  	s3 =	sld [smem:$0x3FFD];
	_ =	sdelay $0x3  }
0x9c: {  	_ =	strace s3  }
0x9d: {  	_ =	strace $0x8FFFFFFF  }
0x9e: {  	s21 =	sld [smem:$0x3FDB];
	_ =	sdelay $0x1  }
0x9f: {  	s6 =	simm.s32 $_scs_section_size  }
0xa0: {  	s7 =	simm.s32 $_size__tile_overlayer_lowered;
	s8 =	simm.s32 $_tile_overlayer_lowered  }
0xa1: {  	s9 =	simm.s32 $0x1BFF;
	s22 =	sshll.u32 s8, $0x1;
	s6 =	sadd.s32 s6, s21  }
0xa2: {  	s23 =	simm.s32 $0x0;
	s7 =	sshll.u32 s7, $0x1;
	s8 =	sadd.s32 s22, s6  }
0xa3: {  	[timem:s23], [sflag:s9] =	dma.local [hbm:s8], s7  }
0xa4: {  	_ =	swait.ge [sflag:s9], s7  }
0xa5: {  	s7 =	ssub.s32 $0x0, s7;
	[sflag:s9] =	ssyncset.done $0x0  }
0xa6: {  	[sflag:s9] =	ssyncadd.s32 s7;
	_ =	sdelay $0x1  }
0xa7: {  	s24 =	simm.s32 $0x1B8B  }
0xa8: {  	_ =	swait.ge [sflag:s24], $0x1  }
0xa9: {  	[sflag:s24] =	ssyncset.done $0x0  }
0xaa: {  	[sflag:s24] =	ssyncadd.s32 $0xFFFFFFFF  }
0xab: {  	s7 =	sld [smem:$0x0]  }
0xac: {  	s8 =	sand.u32 $0xFFFFFFFE, s1  }
0xad: {  	p0 =	sne.s32 s1, s8  }
0xae: {  	s8 =	sshll.u32 @p0 s8, $0xE  }
0xaf: {  	s8 =	sadd.s32 @p0 $0x11B8D, s8;
	s9 =	sshll.u32 @p0 s7, $0x11  }
0xb0: {  	s8 =	sor.u32 @p0 s9, s8  }
0xb1: {  	[sflag:s8] =	ssyncadd.remote.s32 @p0 $0x1;
	_ =	sdelay $0x1  }
0xb2: {  	s8 =	simm.s32 @p0 $0x1B8D  }
0xb3: {  	_ =	swait.eq @p0 [sflag:s8], $0x1  }
0xb4: {  	[sflag:s8] =	ssyncadd.s32 @p0 $0xFFFFFFFF  }
0xb5: {  	s9 =	sshll.u32 @!p0 s1, $0xE  }
0xb6: {  	s9 =	sor.u32 @!p0 $0x4000, s9;
	s8 =	simm.s32 @!p0 $0x1B8D  }
0xb7: {  	s7 =	sshll.u32 @!p0 s7, $0x11;
	s9 =	sadd.s32 @!p0 $0x11B8D, s9;
	_ =	swait.eq @!p0 [sflag:s8], $0x1  }
0xb8: {  	s7 =	sor.u32 @!p0 s7, s9;
	[sflag:s8] =	ssyncadd.s32 @!p0 $0xFFFFFFFF  }
0xb9: {  	s25 =	simm.s32 $0x1B8E;
	[sflag:s7] =	ssyncadd.remote.s32 @!p0 $0x1  }
0xba: {  	s26 =	simm.s32 $execute0_lowered;
	[smem:$0x3FD2] =	sst s25  }
0xbb: {  	s7 =	sshll.u32 s26, $0x1;
	_ =	strace $0x80000049;
	[dreg:$0x1] =	wrdreg $0xFFFFFFFF  }
0xbc: {  	s28 =	simm.s32 $_size_execute0_lowered;
	s6 =	sadd.s32 s6, s7;
	[dreg:$0x0] =	wrdreg $0x0  }
0xbd: {  	s7 =	sshll.u32 s28, $0x1;
	[dreg:$0x2] =	wrdreg s6  }
0xbe: {  	[dreg:$0x3] =	wrdreg s7  }
0xbf: {  	[dreg:$0x4] =	wrdreg $0xC0  }
0xc0: {  	_ =	task [dreg:s23], $0x5FFFF  }
0xc1: {  	[dreg:$0x1] =	wrdreg $0xFFFFFFFF  }
0xc2: {  	[dreg:$0x0] =	wrdreg $0x60  }
0xc3: {  	[dreg:$0x2] =	wrdreg s19  }
0xc4: {  	[dreg:$0x3] =	wrdreg s2  }
0xc5: {  	[dreg:$0x4] =	wrdreg s18  }
0xc6: {  	[dreg:$0x5] =	wrdreg $0x9  }
0xc7: {  	_ =	task.clear_ibuf [dreg:s23], $0x6FFFF;
	_ =	strace $0x90000049  }
0xc8: {  	s29 =	simm.s32 $0x9;
	_ =	strace $0x8000004B  }
0xc9: {  	_ =	swait.ge [sflag:s29], $0x1  }
0xca: {  	[sflag:s29] =	ssyncadd.s32 $0xFFFFFFFF  }
0xcb: {  	_ =	strace $0x9000004B  }
0xcc: {  	_ =	sfence  }
0xcd: {  	s30 =	sld [smem:$0x0];
	_ =	sdelay $0x2  }
0xce: {  	s31 =	sshll.u32 s1, $0xD;
	s1 =	sshrl.u32 s1, $0x2  }
0xcf: {  	s4 =	sand.u32 $0x4000, s31;
	s1 =	sadd.s32 s1, s30  }
0xd0: {  	s0 =	sor.u32 s4, s0;
	s1 =	sshll.u32 s1, $0x11  }
0xd1: {  	s0 =	sor.u32 s1, s0  }
0xd2: {  	s0 =	sadd.s32 $0x8F2B, s0  }
0xd3: {  	[sflag:s0] =	ssyncadd.remote.s32 $0x1  }
0xd4: {  	_ =	sfence.sel $0xFFFF  }
0xd5: {  	[dreg:$0x0] =	wrdreg $0xFFFFFFFF;
	(pc) =	sbr.abs _section_cstart, $3  }
0xd6: {  	[dreg:$0x1] =	wrdreg $0xFFFFFFFF  }
0xd7: {  	_ =	task.clear_ibuf [dreg:s23], $0x2FFFF;
	_ =	strace $0x9FFFFFFF  }
0xd8: {  	(tm) =	ssettm $0x7FFFFFFF  }
0xd9: {  	_ =	shalt  }
tec
execute0_lowered:
.L_overlay_start_1:
0x0: {  	(tag) =	ssettag $0x1  }
0x1: {  	s1 =	rddreg [dreg:$0x0];
	s2 =	srdreg.scid  }
0x2: {  	s4 =	rddreg [dreg:$0x1];
	s0 =	stileid.u32;
	s14 =	sand.u32 $0x1, s2  }
0x3: {  	s15 =	rddreg [dreg:$0x2];
	s5 =	sshll.u32 s0, $0xA;
	s6 =	sshll.u32 s14, $0x9  }
0x4: {  	s3 =	simm.s32 $0x0;
	s2 =	rddreg [dreg:$0x3];
	s16 =	sor.u32 s6, s5  }
0x5: {  	[smem:$0x7FF] =	sst s3;
	s5 =	sshrl.u32 s16, $0x3  }
0x6: {  	_ =	strace $0x8000004A;
	s5 =	sadd.s32 s4, s5;
	s4 =	simm.s32 $0x2  }
0x7: {  	[tilespmem:s3], [sflag:$0x2] =	stream.linear.gather [hbm4b:s5+s3], $0x200, $0x38;
	[tilespmem:$0x10200] =	vst v63  }
0x8: {  	_ =	swait.ge [sflag:s4], $0x200  }
0x9: {  	[sflag:s4] =	ssyncset.done $0x0  }
0xa: {  	s7 =	simm.s32 $0x200;
	s6 =	simm.s32 $0x80;
	[sflag:s4] =	ssyncadd.s32 $0xFFFFFE00  }
0xb: {  	[tilespmem:s7], [sflag:$0x1] =	stream.indirect.gather [hbm4b:s1+s6], $0x80, s3, s6, $0xb8;
	[tilespmem:$0x10200] =	vst v63  }
0xc: {  	s8 =	simm.s32 $0x4200  }
0xd: {  	[tilespmem:s8], [sflag:$0x1] =	stream.indirect.gather [hbm4b:s1+s6], $0x80, s6, s6, $0xb8;
	[tilespmem:$0x10200] =	vst v63  }
0xe: {  	s9 =	simm.s32 $0x100;
	s10 =	simm.s32 $0x8200  }
0xf: {  	[tilespmem:s10], [sflag:$0x1] =	stream.indirect.gather [hbm4b:s1+s6], $0x80, s9, s6, $0xb8;
	[tilespmem:$0x10200] =	vst v63  }
0x10: {  	s11 =	simm.s32 $0x180;
	s12 =	simm.s32 $0xC200;
	s13 =	simm.s32 $0x1  }
0x11: {  	[tilespmem:s12], [sflag:$0x1] =	stream.indirect.gather [hbm4b:s1+s6], $0x80, s11, s6, $0xb8;
	[tilespmem:$0x10200] =	vst v63  }
0x12: {  	_ =	swait.ge [sflag:s13], $0x4000  }
0x13: {  	[sflag:s13] =	ssyncset.done $0x0  }
0x14: {  	[sflag:s13] =	ssyncadd.s32 $0xFFFFC000  }
0x15: {  	_ =	swait.ge [sflag:s13], $0x4000  }
0x16: {  	[sflag:s13] =	ssyncset.done $0x0  }
0x17: {  	s14 =	ssub.s32 $0x2, s14;
	[sflag:s13] =	ssyncadd.s32 $0xFFFFC000  }
0x18: {  	s17 =	sshrl.u32 s14, $0x1;
	_ =	swait.ge [sflag:s13], $0x4000  }
0x19: {  	s17 =	ssub.s32 s14, s17;
	[sflag:s13] =	ssyncset.done $0x0  }
0x1a: {  	s31 =	smax.u32 s17, $0x1;
	[sflag:s13] =	ssyncadd.s32 $0xFFFFC000  }
0x1b: {  	p0 =	sne.s32 s31, $0x1;
	_ =	swait.ge [sflag:s13], $0x4000  }
.Ltmp0:
0x1c: {  	s30 =	sshll.u32 s16, $0x4;
	[sflag:s13] =	ssyncset.done $0x0;
	(pc) =	sbr.rel @!p0 .LBB2_2-.Ltmp0, $4  }
0x1d: {  	s14 =	sadd.s32 s15, s30;
	[sflag:s13] =	ssyncadd.s32 $0xFFFFC000  }
0x1e: {  	[hbm4b:s14+s3] =	stream.linear.scatter [tilespmem:s7], [sflag:$0x2], $0x10000, $0x38;
	[tilespmem:$0x10200] =	vst v63  }
0x1f: {  	_ =	swait.ge [sflag:s4], $0x10000  }
0x20: {  	s15 =	sadd.s32 $0xFFFFFFFF, s31;
	[sflag:s4] =	ssyncset.done $0x0  }
.LBB2_1:
0x21: {  	p0 =	sne.s32 s15, $0x1;
	s15 =	sadd.s32 $0xFFFFFFFF, s15;
	[sflag:s4] =	ssyncadd.s32 $0xFFFF0000  }
0x22: {  	[tilespmem:s3], [sflag:$0x2] =	stream.linear.gather [hbm4b:s5+s3], $0x200, $0x38;
	[tilespmem:$0x10200] =	vst v63  }
0x23: {  	_ =	swait.ge [sflag:s4], $0x200  }
0x24: {  	[sflag:s4] =	ssyncset.done $0x0  }
0x25: {  	[sflag:s4] =	ssyncadd.s32 $0xFFFFFE00  }
0x26: {  	[tilespmem:s7], [sflag:$0x1] =	stream.indirect.gather [hbm4b:s1+s6], $0x80, s3, s6, $0xb8;
	[tilespmem:$0x10200] =	vst v63  }
0x27: {  	_ = 	snop  }
0x28: {  	[tilespmem:s8], [sflag:$0x1] =	stream.indirect.gather [hbm4b:s1+s6], $0x80, s6, s6, $0xb8;
	[tilespmem:$0x10200] =	vst v63  }
0x29: {  	_ = 	snop  }
0x2a: {  	[tilespmem:s10], [sflag:$0x1] =	stream.indirect.gather [hbm4b:s1+s6], $0x80, s9, s6, $0xb8;
	[tilespmem:$0x10200] =	vst v63  }
0x2b: {  	_ = 	snop  }
0x2c: {  	[tilespmem:s12], [sflag:$0x1] =	stream.indirect.gather [hbm4b:s1+s6], $0x80, s11, s6, $0xb8;
	[tilespmem:$0x10200] =	vst v63  }
0x2d: {  	_ =	swait.ge [sflag:s13], $0x4000  }
0x2e: {  	[sflag:s13] =	ssyncset.done $0x0  }
0x2f: {  	[sflag:s13] =	ssyncadd.s32 $0xFFFFC000  }
0x30: {  	_ =	swait.ge [sflag:s13], $0x4000  }
0x31: {  	[sflag:s13] =	ssyncset.done $0x0  }
0x32: {  	[sflag:s13] =	ssyncadd.s32 $0xFFFFC000  }
0x33: {  	_ =	swait.ge [sflag:s13], $0x4000  }
0x34: {  	[sflag:s13] =	ssyncset.done $0x0  }
0x35: {  	[sflag:s13] =	ssyncadd.s32 $0xFFFFC000  }
0x36: {  	_ =	swait.ge [sflag:s13], $0x4000  }
.Ltmp1:
0x37: {  	[sflag:s13] =	ssyncset.done $0x0;
	(pc) =	sbr.rel @p0 .LBB2_1-.Ltmp1, $4  }
0x38: {  	[sflag:s13] =	ssyncadd.s32 $0xFFFFC000  }
0x39: {  	[hbm4b:s14+s3] =	stream.linear.scatter [tilespmem:s7], [sflag:$0x2], $0x10000, $0x38;
	[tilespmem:$0x10200] =	vst v63  }
0x3a: {  	_ =	swait.ge [sflag:s4], $0x10000  }
0x3b: {  	[sflag:s4] =	ssyncset.done $0x0  }
.LBB2_2:
0x3c: {  	[sflag:s4] =	ssyncadd.s32 $0xFFFF0000  }
0x3d: {  	_ =	sfence.sel $0x180000  }
0x3e: {  	[bflag:$0x0] =	sbarrier.arrive $0xFFFF  }
0x3f: {  	p0 =	sne.s32 s0, $0x0;
	_ =	strace $0x9000004A  }
0x40: {  	s0 =	sadd.s32 @!p0 $0x100000, s2;
	[bflag:$0x2] =	sbarrier.arrive $0xFFFF  }
0x41: {  	[sflag:s0] =	ssyncadd.tile.s32 @!p0 $0x1;
	_ =	shalt  }
.Lfunc_end2:
_tile_overlayer_lowered:
.L_overlay_start_2:
0x42: {  	(tag) =	ssettag $0x2  }
0x43: {  	s0 =	rddreg [dreg:$0x0];
	s2 =	stileid.u32  }
0x44: {  	s1 =	rddreg [dreg:$0x1];
	p0 =	sne.s32 s2, $0x0  }
0x45: {  	s3 =	rddreg [dreg:$0x2];
	[bflag:$0x3] =	sbarrier.arrive $0xFFFF;
	s2 =	simm.s32 @!p0 $0x1C02  }
0x46: {  	[timem:s3], [sflag:s2] =	dma.local @!p0 [hbm:s0], s1  }
0x47: {  	s0 =	simm.s32 @!p0 $0x2  }
0x48: {  	_ =	swait.ge @!p0 [sflag:s0], s1  }
0x49: {  	s1 =	ssub.s32 @!p0 $0x0, s1;
	[sflag:s0] =	ssyncset.done @!p0 $0x0  }
0x4a: {  	[sflag:s0] =	ssyncadd.s32 @!p0 s1  }
0x4b: {  	[bflag:$0x3] =	sbarrier.arrive $0xFFFF  }
0x4c: {  	_ =	shalt  }

// kernel: kernel.8.cloned.1.call-start
scs
__scs_entry_jumppad:
0x0: {  	(pc) =	sbr.rel $0x88, $3  }
0x1: {  	(tag) =	ssettag $0x0;
	lr =	simm.s32 $0x1  }
0x2: {  	[smem:$0x3F9A] =	sst lr;
	_ =	strace $0xD0000000  }
0x3: {  	_ = 	snop  }
0x4: {  	_ = 	snop  }
0x5: {  	_ = 	snop  }
0x6: {  	_ = 	snop  }
0x7: {  	_ = 	snop  }
__scs_overlays_trampoline_lowered:
0x8: {  	[smem:$0x3FA9] =	sst s0  }
0x9: {  	[smem:$0x3FAA] =	sst s1  }
0xa: {  	[smem:$0x3FAB] =	sst s2  }
0xb: {  	[smem:$0x3FAC] =	sst s3  }
0xc: {  	[smem:$0x3FAD] =	sst s4  }
0xd: {  	[smem:$0x3FAE] =	sst s5  }
0xe: {  	[smem:$0x3FAF] =	sst s6  }
0xf: {  	[smem:$0x3FB0] =	sst s7  }
0x10: {  	[smem:$0x3FB1] =	sst s8  }
0x11: {  	[smem:$0x3FB2] =	sst s9;
	s0 =	simm.s32 @!p0 $0x0  }
0x12: {  	s1 =	sld [smem:$0x3F98];
	s0 =	simm.s32 @p0 $0x1  }
0x13: {  	[smem:$0x3FB3] =	sst s0;
	s0 =	simm.s32 @!p1 $0x0  }
0x14: {  	s2 =	sld [smem:$0x3F97];
	s0 =	simm.s32 @p1 $0x1  }
0x15: {  	[smem:$0x3FB4] =	sst s0;
	s0 =	simm.s32 @!p2 $0x0  }
0x16: {  	s3 =	sld [smem:$0x3FDB];
	s0 =	simm.s32 @p2 $0x1  }
0x17: {  	s4 =	simm.s32 $0x1BF5;
	[smem:$0x3FB6] =	sst s0  }
0x18: {  	s0 =	sld [smem:$0x3F99];
	_ =	swait.ge [sflag:s4], $0x0  }
0x19: {  	s7 =	sld [smem:$0x3F9A]  }
0x1a: {  	s8 =	sadd.s32 $0xFFFFE003, lr  }
0x1b: {  	s9 =	sadd.s32 $0xFFFFFEF7, lr;
	s5 =	simm.s32 $0xFFFFFFFF;
	p2 =	slt.u32 s8, $0xFFFFF086  }
0x1c: {  	p1 =	slt.u32 s9, $0xF7A;
	s5 =	simm.s32 @!p2 $0x0  }
0x1d: {  	s5 =	simm.s32 @p1 $0x1;
	p0 =	seq.s32 s7, s2  }
0x1e: {  	s7 =	smul.u32 @!p0 $0xF7A, s2;
	p2 =	seq.s32 @!p0 s5, $0x0  }
0x1f: {  	s9 =	smul.u32 $0xF7A, s1;
	s8 =	simm.s32 @!p0 $0x1BF5;
	p2 =	por !p2, p0  }
0x20: {  	[sflag:s8] =	ssyncset.s32 @!p0 $0xFFFFF086;
	s6 =	sadd.s32 @!p0 s3, s7;
	s7 =	simm.s32 @!p0 $0x108  }
0x21: {  	s3 =	sadd.s32 s3, s9;
	s6 =	sadd.s32 @!p0 $0x88, s6;
	s7 =	simm.s32 @p2 $0x1082  }
0x22: {  	[simem:s7], [sflag:s8] =	dma.local @!p0 [hbm:s6], $0xF7A  }
0x23: {  	s9 =	sor.u32 $0xD0000000, s2;
	s6 =	simm.s32 $0x108;
	_ =	swait.ge @!p0 [sflag:s8], $0x0  }
0x24: {  	s3 =	sadd.s32 $0x88, s3;
	s6 =	simm.s32 @!p1 $0x1082;
	[sflag:s4] =	ssyncset.s32 $0xFFFFF086  }
0x25: {  	[simem:s6], [sflag:s4] =	dma.local [hbm:s3], $0xF7A  }
0x26: {  	[smem:$0x3F9A] =	sst s1;
	(tag) =	ssettag s2;
	_ =	strace s9  }
0x27: {  	s1 =	sld [smem:$0x3FAA]  }
0x28: {  	s2 =	sld [smem:$0x3FAB]  }
0x29: {  	s4 =	sld [smem:$0x3FAD]  }
0x2a: {  	p0 =	seq.s32 s5, $0x0;
	s5 =	sld [smem:$0x3FAE]  }
0x2b: {  	s6 =	sld [smem:$0x3FAF]  }
0x2c: {  	s7 =	sld [smem:$0x3FB0]  }
0x2d: {  	s3 =	simm.s32 $0x108;
	s8 =	sld [smem:$0x3FB1]  }
0x2e: {  	s3 =	simm.s32 @!p0 $0x1082;
	s9 =	sld [smem:$0x3FB2]  }
0x2f: {  	lr =	sadd.s32 s0, s3;
	s0 =	sld [smem:$0x3FA9]  }
0x30: {  	s3 =	sld [smem:$0x3FAC]  }
0x31: {  	[smem:$0x3FB5] =	sst s10  }
0x32: {  	s10 =	sld [smem:$0x3FB3];
	_ =	sdelay $0x3  }
0x33: {  	p0 =	seq.s32 s10, $0x1;
	s10 =	sld [smem:$0x3FB5];
	_ =	sdelay $0x3  }
0x34: {  	[smem:$0x3FB5] =	sst s10  }
0x35: {  	s10 =	sld [smem:$0x3FB4];
	_ =	sdelay $0x3  }
0x36: {  	p1 =	seq.s32 s10, $0x1;
	s10 =	sld [smem:$0x3FB5];
	_ =	sdelay $0x3  }
0x37: {  	[smem:$0x3FB5] =	sst s10  }
0x38: {  	s10 =	sld [smem:$0x3FB6]  }
0x39: {  	_ = 	snop;
	(pc) =	sbr.ind lr, $3  }
0x3a: {  	_ = 	snop  }
0x3b: {  	_ = 	snop  }
0x3c: {  	p2 =	seq.s32 s10, $0x1;
	s10 =	sld [smem:$0x3FB5]  }
0x3d: {  	_ =	shalt  }
0x3e: {  	_ =	shalt  }
0x3f: {  	_ =	shalt  }
0x40: {  	_ =	shalt  }
0x41: {  	_ =	shalt  }
0x42: {  	_ =	shalt  }
0x43: {  	_ =	shalt  }
0x44: {  	_ =	shalt  }
0x45: {  	_ =	shalt  }
0x46: {  	_ =	shalt  }
0x47: {  	_ =	shalt  }
0x48: {  	_ =	shalt  }
0x49: {  	_ =	shalt  }
0x4a: {  	_ =	shalt  }
0x4b: {  	_ =	shalt  }
0x4c: {  	_ =	shalt  }
0x4d: {  	_ =	shalt  }
0x4e: {  	_ =	shalt  }
0x4f: {  	_ =	shalt  }
0x50: {  	_ =	shalt  }
0x51: {  	_ =	shalt  }
0x52: {  	_ =	shalt  }
0x53: {  	_ =	shalt  }
0x54: {  	_ =	shalt  }
0x55: {  	_ =	shalt  }
0x56: {  	_ =	shalt  }
0x57: {  	_ =	shalt  }
0x58: {  	_ =	shalt  }
0x59: {  	_ =	shalt  }
0x5a: {  	_ =	shalt  }
0x5b: {  	_ =	shalt  }
0x5c: {  	_ =	shalt  }
0x5d: {  	_ =	shalt  }
0x5e: {  	_ =	shalt  }
0x5f: {  	_ =	shalt  }
0x60: {  	_ =	shalt  }
0x61: {  	_ =	shalt  }
0x62: {  	_ =	shalt  }
0x63: {  	_ =	shalt  }
0x64: {  	_ =	shalt  }
0x65: {  	_ =	shalt  }
0x66: {  	_ =	shalt  }
0x67: {  	_ =	shalt  }
0x68: {  	_ =	shalt  }
0x69: {  	_ =	shalt  }
0x6a: {  	_ =	shalt  }
0x6b: {  	_ =	shalt  }
0x6c: {  	_ =	shalt  }
0x6d: {  	_ =	shalt  }
0x6e: {  	_ =	shalt  }
0x6f: {  	_ =	shalt  }
0x70: {  	_ =	shalt  }
0x71: {  	_ =	shalt  }
0x72: {  	_ =	shalt  }
0x73: {  	_ =	shalt  }
0x74: {  	_ =	shalt  }
0x75: {  	_ =	shalt  }
0x76: {  	_ =	shalt  }
0x77: {  	_ =	shalt  }
0x78: {  	_ =	shalt  }
0x79: {  	_ =	shalt  }
0x7a: {  	_ =	shalt  }
0x7b: {  	_ =	shalt  }
0x7c: {  	_ =	shalt  }
0x7d: {  	_ =	shalt  }
0x7e: {  	_ =	shalt  }
0x7f: {  	_ =	shalt  }
0x80: {  	_ =	shalt  }
0x81: {  	_ =	shalt  }
0x82: {  	_ =	shalt  }
0x83: {  	_ =	shalt  }
0x84: {  	_ =	shalt  }
0x85: {  	_ =	shalt  }
0x86: {  	_ =	shalt  }
0x87: {  	_ =	shalt  }
.Lfunc_end0:
.L_simem_size_0:
called_computation.3_lowered:
.L_overlay_start_0:
0x88: {  	s2 =	sld [smem:$0x3FD9]  }
0x89: {  	s3 =	sld [smem:$0x3FFE];
	_ =	sdelay $0x1  }
0x8a: {  	s1 =	srdreg.scid  }
0x8b: {  	s0 =	sand.u32 $0x1, s1  }
0x8c: {  	s14 =	sshll.u32 s0, $0xA;
	s2 =	sadd.s32 s3, s2  }
0x8d: {  	s2 =	sadd.s32 s2, s14  }
0x8e: {  	[smem:$0x3FC1] =	sst s2  }
0x8f: {  	_ = 	snop  }
0x90: {  	s2 =	sld [smem:$0x3FD0];
	_ =	sdelay $0x2  }
0x91: {  	s15 =	simm.s32 $0xB;
	s4 =	simm.s32 $0x10  }
0x92: {  	[smem:s4], [sflag:s15] =	dma.local [hbm:s2], $0x1  }
0x93: {  	_ =	swait.eq [sflag:s15], $0x1  }
0x94: {  	[sflag:s15] =	ssyncset.done $0x0  }
0x95: {  	s16 =	sld [smem:$0x10];
	[sflag:s15] =	ssyncadd.s32 $0xFFFFFFFF  }
0x96: {  	s17 =	sld [smem:$0x11];
	(tm) =	ssettm $0x1  }
0x97: {  	s18 =	sld [smem:$0x3FFB];
	_ =	sdelay $0x3  }
0x98: {  	_ =	strace s18  }
0x99: {  	s4 =	sld [smem:$0x3FFC];
	_ =	sdelay $0x3  }
0x9a: {  	_ =	strace s4  }
0x9b: {  	s4 =	sld [smem:$0x3FFD];
	_ =	sdelay $0x3  }
0x9c: {  	_ =	strace s4  }
0x9d: {  	_ =	strace $0x8FFFFFFF  }
0x9e: {  	s19 =	sld [smem:$0x3FDB];
	_ =	sdelay $0x1  }
0x9f: {  	s5 =	simm.s32 $_scs_section_size  }
0xa0: {  	s6 =	simm.s32 $_size__tile_overlayer_lowered;
	s7 =	simm.s32 $_tile_overlayer_lowered  }
0xa1: {  	s22 =	simm.s32 $0x1BFF;
	s21 =	sshll.u32 s7, $0x1;
	s4 =	sadd.s32 s5, s19  }
0xa2: {  	s8 =	simm.s32 $0x0;
	s20 =	sshll.u32 s6, $0x1;
	s6 =	sadd.s32 s21, s4  }
0xa3: {  	[timem:s8], [sflag:s22] =	dma.local [hbm:s6], s20  }
0xa4: {  	_ =	swait.ge [sflag:s22], s20  }
0xa5: {  	s5 =	ssub.s32 $0x0, s20;
	[sflag:s22] =	ssyncset.done $0x0  }
0xa6: {  	[sflag:s22] =	ssyncadd.s32 s5;
	_ =	sdelay $0x1  }
0xa7: {  	s23 =	simm.s32 $0x1B8B  }
0xa8: {  	_ =	swait.ge [sflag:s23], $0x1  }
0xa9: {  	[sflag:s23] =	ssyncset.done $0x0  }
0xaa: {  	s25 =	simm.s32 $0x1B8E;
	s24 =	sld [smem:$0x3FFE];
	[sflag:s23] =	ssyncadd.s32 $0xFFFFFFFF  }
0xab: {  	s26 =	simm.s32 $execute0_lowered;
	[smem:$0x3FD2] =	sst s25  }
0xac: {  	s6 =	sshll.u32 s26, $0x1;
	_ =	strace $0x8000004F;
	[dreg:$0x1] =	wrdreg $0xFFFFFFFF  }
0xad: {  	s28 =	simm.s32 $_size_execute0_lowered;
	s4 =	sadd.s32 s4, s6;
	[dreg:$0x0] =	wrdreg $0x0  }
0xae: {  	s6 =	sshll.u32 s28, $0x1;
	[dreg:$0x2] =	wrdreg s4  }
0xaf: {  	[dreg:$0x3] =	wrdreg s6  }
0xb0: {  	[dreg:$0x4] =	wrdreg $0xC0  }
0xb1: {  	_ =	task [dreg:s8], $0x5FFFF  }
0xb2: {  	[dreg:$0x1] =	wrdreg $0xFFFFFFFF  }
0xb3: {  	[dreg:$0x0] =	wrdreg $0x60  }
0xb4: {  	[dreg:$0x2] =	wrdreg s24  }
0xb5: {  	[dreg:$0x3] =	wrdreg s16  }
0xb6: {  	[dreg:$0x4] =	wrdreg s17  }
0xb7: {  	[dreg:$0x5] =	wrdreg $0x9  }
0xb8: {  	_ =	task.clear_ibuf [dreg:s8], $0x6FFFF;
	_ =	strace $0x9000004F  }
0xb9: {  	s29 =	simm.s32 $0x9;
	_ =	strace $0x80000051  }
0xba: {  	_ =	swait.ge [sflag:s29], $0x1  }
0xbb: {  	[sflag:s29] =	ssyncadd.s32 $0xFFFFFFFF  }
0xbc: {  	_ =	strace $0x90000051  }
0xbd: {  	_ =	sfence  }
0xbe: {  	s30 =	sld [smem:$0x0];
	_ =	sdelay $0x2  }
0xbf: {  	s31 =	sshll.u32 s1, $0xD;
	s1 =	sshrl.u32 s1, $0x2  }
0xc0: {  	s3 =	sand.u32 $0x4000, s31;
	s1 =	sadd.s32 s1, s30  }
0xc1: {  	s0 =	sor.u32 s3, s0;
	s1 =	sshll.u32 s1, $0x11  }
0xc2: {  	s0 =	sor.u32 s1, s0  }
0xc3: {  	s0 =	sadd.s32 $0x8F2B, s0  }
0xc4: {  	[sflag:s0] =	ssyncadd.remote.s32 $0x1  }
0xc5: {  	_ =	sfence.sel $0xFFFF  }
0xc6: {  	[dreg:$0x0] =	wrdreg $0xFFFFFFFF;
	(pc) =	sbr.abs _section_cstart, $3  }
0xc7: {  	[dreg:$0x1] =	wrdreg $0xFFFFFFFF  }
0xc8: {  	_ =	task.clear_ibuf [dreg:s8], $0x2FFFF;
	_ =	strace $0x9FFFFFFF  }
0xc9: {  	(tm) =	ssettm $0x7FFFFFFF  }
tec
execute0_lowered:
.L_overlay_start_1:
0x0: {  	(tag) =	ssettag $0x1  }
0x1: {  	s5 =	rddreg [dreg:$0x0];
	s1 =	srdreg.scid  }
0x2: {  	s2 =	rddreg [dreg:$0x1];
	s0 =	stileid.u32;
	s20 =	sand.u32 $0x1, s1  }
0x3: {  	s3 =	rddreg [dreg:$0x2];
	s6 =	sshll.u32 s0, $0x7;
	s7 =	sshll.u32 s20, $0x6  }
0x4: {  	s4 =	simm.s32 $0x0;
	s1 =	rddreg [dreg:$0x3];
	s6 =	sor.u32 s7, s6  }
0x5: {  	[smem:$0x7FF] =	sst s4;
	s7 =	sadd.s32 s6, s5  }
0x6: {  	_ =	strace $0x80000050;
	s6 =	simm.s32 $0x2;
	s5 =	sadd.s32 $0x1000, s7  }
0x7: {  	[tilespmem:s4], [sflag:$0x2] =	stream.linear.gather [hbm4b:s5+s4], $0x200, $0x38;
	[tilespmem:$0x10400] =	vst v63  }
0x8: {  	_ =	swait.ge [sflag:s6], $0x200  }
0x9: {  	[sflag:s6] =	ssyncset.done $0x0  }
0xa: {  	s8 =	simm.s32 $0x200;
	s7 =	sadd.s32 $0x1800, s7;
	[sflag:s6] =	ssyncadd.s32 $0xFFFFFE00  }
0xb: {  	[tilespmem:s8], [sflag:$0x2] =	stream.linear.gather [hbm4b:s7+s4], $0x200, $0x38;
	[tilespmem:$0x10400] =	vst v63  }
0xc: {  	_ =	swait.ge [sflag:s6], $0x200  }
0xd: {  	[sflag:s6] =	ssyncset.done $0x0  }
0xe: {  	s9 =	simm.s32 $0x80;
	s10 =	simm.s32 $0x400;
	[sflag:s6] =	ssyncadd.s32 $0xFFFFFE00  }
0xf: {  	[tilespmem:s10], [sflag:$0x1] =	stream.indirect.gather [hbm4b:s2+s9], $0x80, s8, s9, $0xb8;
	[tilespmem:$0x10400] =	vst v63  }
0x10: {  	s11 =	simm.s32 $0x280;
	s12 =	simm.s32 $0x4400  }
0x11: {  	[tilespmem:s12], [sflag:$0x1] =	stream.indirect.gather [hbm4b:s2+s9], $0x80, s11, s9, $0xb8;
	[tilespmem:$0x10400] =	vst v63  }
0x12: {  	s13 =	simm.s32 $0x300;
	s14 =	simm.s32 $0x8400  }
0x13: {  	[tilespmem:s14], [sflag:$0x1] =	stream.indirect.gather [hbm4b:s2+s9], $0x80, s13, s9, $0xb8;
	[tilespmem:$0x10400] =	vst v63  }
0x14: {  	s15 =	simm.s32 $0x380;
	s17 =	simm.s32 $0xC400;
	s16 =	simm.s32 $0x1  }
0x15: {  	[tilespmem:s17], [sflag:$0x1] =	stream.indirect.gather [hbm4b:s2+s9], $0x80, s15, s9, $0xb8;
	[tilespmem:$0x10400] =	vst v63  }
0x16: {  	_ =	swait.ge [sflag:s16], $0x4000  }
0x17: {  	[sflag:s16] =	ssyncset.done $0x0  }
0x18: {  	[sflag:s16] =	ssyncadd.s32 $0xFFFFC000  }
0x19: {  	_ =	swait.ge [sflag:s16], $0x4000  }
0x1a: {  	[sflag:s16] =	ssyncset.done $0x0  }
0x1b: {  	[sflag:s16] =	ssyncadd.s32 $0xFFFFC000  }
0x1c: {  	_ =	swait.ge [sflag:s16], $0x4000  }
0x1d: {  	[sflag:s16] =	ssyncset.done $0x0  }
0x1e: {  	[sflag:s16] =	ssyncadd.s32 $0xFFFFC000  }
0x1f: {  	_ =	swait.ge [sflag:s16], $0x4000  }
0x20: {  	[sflag:s16] =	ssyncset.done $0x0  }
0x21: {  	[sflag:s16] =	ssyncadd.s32 $0xFFFFC000  }
0x22: {  	[hbm4b:s3+s9] =	stream.indirect.scatter [tilespmem:s10], [sflag:$0x1], $0x80, s4, s9, $0xb8;
	[tilespmem:$0x10400] =	vst v63  }
0x23: {  	_ = 	snop  }
0x24: {  	[hbm4b:s3+s9] =	stream.indirect.scatter [tilespmem:s12], [sflag:$0x1], $0x80, s9, s9, $0xb8;
	[tilespmem:$0x10400] =	vst v63  }
0x25: {  	s18 =	simm.s32 $0x100  }
0x26: {  	[hbm4b:s3+s9] =	stream.indirect.scatter [tilespmem:s14], [sflag:$0x1], $0x80, s18, s9, $0xb8;
	[tilespmem:$0x10400] =	vst v63  }
0x27: {  	s19 =	simm.s32 $0x180  }
0x28: {  	[hbm4b:s3+s9] =	stream.indirect.scatter [tilespmem:s17], [sflag:$0x1], $0x80, s19, s9, $0xb8;
	[tilespmem:$0x10400] =	vst v63  }
0x29: {  	_ =	swait.ge [sflag:s16], $0x4000  }
0x2a: {  	s20 =	ssub.s32 $0x2, s20;
	[sflag:s16] =	ssyncset.done $0x0  }
0x2b: {  	s21 =	sshrl.u32 s20, $0x1;
	[sflag:s16] =	ssyncadd.s32 $0xFFFFC000  }
0x2c: {  	s20 =	ssub.s32 s20, s21;
	_ =	swait.ge [sflag:s16], $0x4000  }
0x2d: {  	s20 =	smax.u32 s20, $0x1;
	[sflag:s16] =	ssyncset.done $0x0  }
0x2e: {  	p0 =	sne.s32 s20, $0x1;
	[sflag:s16] =	ssyncadd.s32 $0xFFFFC000  }
.Ltmp0:
0x2f: {  	_ =	swait.ge [sflag:s16], $0x4000;
	(pc) =	sbr.rel @!p0 .LBB2_2-.Ltmp0, $4  }
0x30: {  	[sflag:s16] =	ssyncset.done $0x0  }
0x31: {  	[sflag:s16] =	ssyncadd.s32 $0xFFFFC000  }
0x32: {  	_ =	swait.ge [sflag:s16], $0x4000  }
0x33: {  	s20 =	sadd.s32 $0xFFFFFFFF, s20;
	[sflag:s16] =	ssyncset.done $0x0  }
.LBB2_1:
0x34: {  	p0 =	sne.s32 s20, $0x1;
	s20 =	sadd.s32 $0xFFFFFFFF, s20;
	[sflag:s16] =	ssyncadd.s32 $0xFFFFC000  }
0x35: {  	[tilespmem:s4], [sflag:$0x2] =	stream.linear.gather [hbm4b:s5+s4], $0x200, $0x38;
	[tilespmem:$0x10400] =	vst v63  }
0x36: {  	_ =	swait.ge [sflag:s6], $0x200  }
0x37: {  	[sflag:s6] =	ssyncset.done $0x0  }
0x38: {  	[sflag:s6] =	ssyncadd.s32 $0xFFFFFE00  }
0x39: {  	[tilespmem:s8], [sflag:$0x2] =	stream.linear.gather [hbm4b:s7+s4], $0x200, $0x38;
	[tilespmem:$0x10400] =	vst v63  }
0x3a: {  	_ =	swait.ge [sflag:s6], $0x200  }
0x3b: {  	[sflag:s6] =	ssyncset.done $0x0  }
0x3c: {  	[sflag:s6] =	ssyncadd.s32 $0xFFFFFE00  }
0x3d: {  	[tilespmem:s10], [sflag:$0x1] =	stream.indirect.gather [hbm4b:s2+s9], $0x80, s8, s9, $0xb8;
	[tilespmem:$0x10400] =	vst v63  }
0x3e: {  	_ = 	snop  }
0x3f: {  	[tilespmem:s12], [sflag:$0x1] =	stream.indirect.gather [hbm4b:s2+s9], $0x80, s11, s9, $0xb8;
	[tilespmem:$0x10400] =	vst v63  }
0x40: {  	_ = 	snop  }
0x41: {  	[tilespmem:s14], [sflag:$0x1] =	stream.indirect.gather [hbm4b:s2+s9], $0x80, s13, s9, $0xb8;
	[tilespmem:$0x10400] =	vst v63  }
0x42: {  	_ = 	snop  }
0x43: {  	[tilespmem:s17], [sflag:$0x1] =	stream.indirect.gather [hbm4b:s2+s9], $0x80, s15, s9, $0xb8;
	[tilespmem:$0x10400] =	vst v63  }
0x44: {  	_ =	swait.ge [sflag:s16], $0x4000  }
0x45: {  	[sflag:s16] =	ssyncset.done $0x0  }
0x46: {  	[sflag:s16] =	ssyncadd.s32 $0xFFFFC000  }
0x47: {  	_ =	swait.ge [sflag:s16], $0x4000  }
0x48: {  	[sflag:s16] =	ssyncset.done $0x0  }
0x49: {  	[sflag:s16] =	ssyncadd.s32 $0xFFFFC000  }
0x4a: {  	_ =	swait.ge [sflag:s16], $0x4000  }
0x4b: {  	[sflag:s16] =	ssyncset.done $0x0  }
0x4c: {  	[sflag:s16] =	ssyncadd.s32 $0xFFFFC000  }
0x4d: {  	_ =	swait.ge [sflag:s16], $0x4000  }
0x4e: {  	[sflag:s16] =	ssyncset.done $0x0  }
0x4f: {  	[sflag:s16] =	ssyncadd.s32 $0xFFFFC000  }
0x50: {  	[hbm4b:s3+s9] =	stream.indirect.scatter [tilespmem:s10], [sflag:$0x1], $0x80, s4, s9, $0xb8;
	[tilespmem:$0x10400] =	vst v63  }
0x51: {  	_ = 	snop  }
0x52: {  	[hbm4b:s3+s9] =	stream.indirect.scatter [tilespmem:s12], [sflag:$0x1], $0x80, s9, s9, $0xb8;
	[tilespmem:$0x10400] =	vst v63  }
0x53: {  	_ = 	snop  }
0x54: {  	[hbm4b:s3+s9] =	stream.indirect.scatter [tilespmem:s14], [sflag:$0x1], $0x80, s18, s9, $0xb8;
	[tilespmem:$0x10400] =	vst v63  }
0x55: {  	_ = 	snop  }
0x56: {  	[hbm4b:s3+s9] =	stream.indirect.scatter [tilespmem:s17], [sflag:$0x1], $0x80, s19, s9, $0xb8;
	[tilespmem:$0x10400] =	vst v63  }
0x57: {  	_ =	swait.ge [sflag:s16], $0x4000  }
0x58: {  	[sflag:s16] =	ssyncset.done $0x0  }
0x59: {  	[sflag:s16] =	ssyncadd.s32 $0xFFFFC000  }
0x5a: {  	_ =	swait.ge [sflag:s16], $0x4000  }
0x5b: {  	[sflag:s16] =	ssyncset.done $0x0  }
0x5c: {  	[sflag:s16] =	ssyncadd.s32 $0xFFFFC000  }
.Ltmp1:
0x5d: {  	_ =	swait.ge [sflag:s16], $0x4000;
	(pc) =	sbr.rel @p0 .LBB2_1-.Ltmp1, $4  }
0x5e: {  	[sflag:s16] =	ssyncset.done $0x0  }
0x5f: {  	[sflag:s16] =	ssyncadd.s32 $0xFFFFC000  }
0x60: {  	_ =	swait.ge [sflag:s16], $0x4000  }
0x61: {  	[sflag:s16] =	ssyncset.done $0x0  }
.LBB2_2:
0x62: {  	[sflag:s16] =	ssyncadd.s32 $0xFFFFC000  }
0x63: {  	_ =	sfence.sel $0x180000  }
0x64: {  	[bflag:$0x0] =	sbarrier.arrive $0xFFFF  }
0x65: {  	p0 =	sne.s32 s0, $0x0;
	_ =	strace $0x90000050  }
0x66: {  	s0 =	sadd.s32 @!p0 $0x100000, s1;
	[bflag:$0x2] =	sbarrier.arrive $0xFFFF  }
0x67: {  	[sflag:s0] =	ssyncadd.tile.s32 @!p0 $0x1;
	_ =	shalt  }
.Lfunc_end2:
_tile_overlayer_lowered:
.L_overlay_start_2:
0x68: {  	(tag) =	ssettag $0x2  }
0x69: {  	s0 =	rddreg [dreg:$0x0];
	s2 =	stileid.u32  }
0x6a: {  	s1 =	rddreg [dreg:$0x1];
	p0 =	sne.s32 s2, $0x0  }
0x6b: {  	s3 =	rddreg [dreg:$0x2];
	[bflag:$0x3] =	sbarrier.arrive $0xFFFF;
	s2 =	simm.s32 @!p0 $0x1C02  }
0x6c: {  	[timem:s3], [sflag:s2] =	dma.local @!p0 [hbm:s0], s1  }
0x6d: {  	s0 =	simm.s32 @!p0 $0x2  }
0x6e: {  	_ =	swait.ge @!p0 [sflag:s0], s1  }
0x6f: {  	s1 =	ssub.s32 @!p0 $0x0, s1;
	[sflag:s0] =	ssyncset.done @!p0 $0x0  }
0x70: {  	[sflag:s0] =	ssyncadd.s32 @!p0 s1  }
0x71: {  	[bflag:$0x3] =	sbarrier.arrive $0xFFFF  }
0x72: {  	_ =	shalt  }

</sc_bundles>
